<compile_context>
chip_gen: v7x
topology: tpu7x:2x2x1
jax: 0.10.2.dev20260603
libtpu: 0.0.44.dev20260713+nightly
codegen_flags: <defaults>
</compile_context>

<pallas_src>
import functools

import jax
import jax.numpy as jnp
from jax import lax
from jax.experimental import pallas as pl
from jax.experimental.pallas import tpu as pltpu
from jax.experimental.pallas import tpu_sc as plsc

_N = 10000
_E = 320000
_D = 128

_NC = 2
_NS = 16
_NW = _NC * _NS
_EPT = _E // _NW
_CSZ = 80
_NCH = _EPT // _CSZ
_RPS = 624
_TAIL = _N - _RPS * _NS
_BLK = 400

_mesh = plsc.VectorSubcoreMesh(core_axis_name="c", subcore_axis_name="s")


@functools.partial(
    pl.kernel,
    out_type=jax.ShapeDtypeStruct((_NW, _N), jnp.float32),
    mesh=_mesh,
    scratch_types=[
        pltpu.VMEM((_EPT,), jnp.int32),
        pltpu.VMEM((_N,), jnp.float32),
    ],
    compiler_params=pltpu.CompilerParams(needs_layout_passes=False),
)
def _hist(dst_hbm, zeros_hbm, cnt_hbm, dst_v, hist_v):
    c = lax.axis_index("c")
    s = lax.axis_index("s")
    wid = s * _NC + c
    pltpu.sync_copy(dst_hbm.at[wid], dst_v)
    pltpu.sync_copy(zeros_hbm, hist_v)
    ones = jnp.ones((16,), jnp.float32)

    def body(i, carry):
        idx = dst_v[pl.ds(i * 16, 16)]
        plsc.addupdate_scatter(hist_v, [idx], ones)
        return carry

    lax.fori_loop(0, _EPT // 16, body, 0)
    pltpu.sync_copy(hist_v, cnt_hbm.at[wid])


def _y_body(emb_ref, w_ref, cnt_ref, y_ref):
    deg = jnp.sum(cnt_ref[...], axis=1) + 1.0
    dis = lax.rsqrt(deg)[:, None]
    xw = jnp.dot(emb_ref[...], w_ref[...], preferred_element_type=jnp.float32)
    y_ref[...] = xw * dis


def _y_call(emb, w, cnt):
    return pl.pallas_call(
        _y_body,
        grid=(_N // _BLK,),
        in_specs=[
            pl.BlockSpec((_BLK, _D), lambda i: (i, 0)),
            pl.BlockSpec((_D, _D), lambda i: (0, 0)),
            pl.BlockSpec((_BLK, _NW), lambda i: (i, 0)),
        ],
        out_specs=pl.BlockSpec((_BLK, _D), lambda i: (i, 0)),
        out_shape=jax.ShapeDtypeStruct((_N, _D), jnp.float32),
    )(emb, w, cnt)


@functools.partial(
    pl.kernel,
    out_type=jax.ShapeDtypeStruct((_NC, _N, _D), jnp.float32),
    mesh=_mesh,
    scratch_types=[
        pltpu.VMEM((_NCH, _CSZ), jnp.int32),
        pltpu.VMEM((_NCH, _CSZ), jnp.int32),
        pltpu.VMEM((_CSZ, _D), jnp.float32),
        pltpu.SemaphoreType.DMA,
        pltpu.VMEM_SHARED((_N, _D), jnp.float32),
    ],
)
def _edge_scatter(y_hbm, src_hbm, dst_hbm, zeros_hbm, part_hbm,
                  src_v, dst_v, rows_v, sem, acc):
    c = lax.axis_index("c")
    s = lax.axis_index("s")
    wid = s * _NC + c
    pltpu.sync_copy(zeros_hbm.at[pl.ds(s * _RPS, _RPS)],
                    acc.at[pl.ds(s * _RPS, _RPS)])

    @pl.when(s == _NS - 1)
    def _():
        pltpu.sync_copy(zeros_hbm.at[pl.ds(_RPS * _NS, _TAIL)],
                        acc.at[pl.ds(_RPS * _NS, _TAIL)])
    pltpu.sync_copy(src_hbm.at[wid], src_v)
    pltpu.sync_copy(dst_hbm.at[wid], dst_v)
    plsc.subcore_barrier()

    def body(j, carry):
        pltpu.async_copy(y_hbm.at[src_v.at[j]], rows_v, sem).wait()
        pltpu.sync_copy(rows_v, acc.at[dst_v.at[j]], add=True)
        return carry

    lax.fori_loop(0, _NCH, body, 0)
    plsc.subcore_barrier()
    pltpu.sync_copy(acc.at[pl.ds(s * _RPS, _RPS)],
                    part_hbm.at[c, pl.ds(s * _RPS, _RPS)])

    @pl.when(s == _NS - 1)
    def _():
        pltpu.sync_copy(acc.at[pl.ds(_RPS * _NS, _TAIL)],
                        part_hbm.at[c, pl.ds(_RPS * _NS, _TAIL)])


def _final_body(p_ref, y_ref, cnt_ref, b_ref, o_ref):
    deg = jnp.sum(cnt_ref[...], axis=1) + 1.0
    dis = lax.rsqrt(deg)[:, None]
    tot = p_ref[0] + p_ref[1] + y_ref[...]
    o_ref[...] = jnp.maximum(tot * dis + b_ref[...], 0.0)


def _final_call(parts, y, cnt, b):
    return pl.pallas_call(
        _final_body,
        grid=(_N // _BLK,),
        in_specs=[
            pl.BlockSpec((_NC, _BLK, _D), lambda i: (0, i, 0)),
            pl.BlockSpec((_BLK, _D), lambda i: (i, 0)),
            pl.BlockSpec((_BLK, _NW), lambda i: (i, 0)),
            pl.BlockSpec((_D,), lambda i: (0,)),
        ],
        out_specs=pl.BlockSpec((_BLK, _D), lambda i: (i, 0)),
        out_shape=jax.ShapeDtypeStruct((_N, _D), jnp.float32),
    )(parts, y, cnt, b)


def kernel(nodes, edges, emb_table, W, b):
    del nodes
    src = edges[0].reshape(_NW, _NCH, _CSZ)
    dst = edges[1].reshape(_NW, _NCH, _CSZ)
    dst_flat = edges[1].reshape(_NW, _EPT)
    zeros_n = jnp.zeros((_N,), jnp.float32)
    zeros_nd = jnp.zeros((_N, _D), jnp.float32)

    cnt = _hist(dst_flat, zeros_n)
    cnt_t = cnt.T
    y = _y_call(emb_table, W, cnt_t)
    parts = _edge_scatter(y, src, dst, zeros_nd)
    return _final_call(parts, y, cnt_t, b)

# --- scband reference (transcript-rebuilt; emitter-appended) ---
"""Pipeline reference for scband-gcn-entity-11888469475658 (READ-ONLY COPY).

The authoritative reference and input builder live on the scoring server;
editing this copy changes nothing except your own understanding.
"""

import jax, jax.numpy as jnp
import numpy as np

N = 10000
E = 320000
D = 128


def setup_inputs(seed: int = 0) -> dict:
    key = jax.random.key(seed)
    k1, k2, k3 = jax.random.split(key, 3)
    nodes = jnp.arange(N, dtype=jnp.int64) if jax.config.jax_enable_x64 else jnp.arange(N, dtype=jnp.int32)
    edges = jax.random.randint(k1, (2, E), 0, N, dtype=jnp.int32)
    emb_table = jax.random.normal(k2, (N, D), dtype=jnp.float32) * 0.02
    W = jax.random.normal(k3, (D, D), dtype=jnp.float32) / np.sqrt(D)
    b = jnp.zeros((D,), dtype=jnp.float32)
    return {"nodes": nodes, "edges": edges, "emb_table": emb_table, "W": W, "b": b}


def reference(nodes, edges, emb_table, W, b):
    # embedding lookup
    x = jnp.take(emb_table, nodes, axis=0)
    # GCNConv: x' = D^{-1/2} (A + I) D^{-1/2} X W + b  (PyG defaults: self-loops + sym norm)
    x = x @ W
    src = edges[0]
    dst = edges[1]
    loop = jnp.arange(N, dtype=src.dtype)
    src = jnp.concatenate([src, loop])
    dst = jnp.concatenate([dst, loop])
    deg = jax.ops.segment_sum(jnp.ones_like(dst, dtype=x.dtype), dst, num_segments=N)
    deg_inv_sqrt = jnp.where(deg > 0, 1.0 / jnp.sqrt(deg), 0.0)
    norm = deg_inv_sqrt[src] * deg_inv_sqrt[dst]
    msgs = jnp.take(x, src, axis=0) * norm[:, None]
    out = jax.ops.segment_sum(msgs, dst, num_segments=N)
    out = out + b
    return jax.nn.relu(out)

if __name__ == "__main__":
    import jax
    _d = setup_inputs()
    print(jax.jit(kernel)(*tuple(_d.values())))

</pallas_src>

<mosaic_0001>
#map = affine_map<(d0, d1) -> (0, 0)>
#map1 = affine_map<(d0, d1) -> (0, 0, 0)>
module attributes {stable_mosaic.version = 14 : i64} {
  func.func @_edge_scatter(%arg0: i32, %arg1: i32, %arg2: memref<10000x128xf32, #tpu.memory_space<hbm>>, %arg3: memref<32x125x80xi32, #tpu.memory_space<hbm>>, %arg4: memref<32x125x80xi32, #tpu.memory_space<hbm>>, %arg5: memref<10000x128xf32, #tpu.memory_space<hbm>>, %arg6: memref<2x10000x128xf32, #tpu.memory_space<hbm>>, %arg7: memref<125x80xi32, #tpu.memory_space<vmem>>, %arg8: memref<125x80xi32, #tpu.memory_space<vmem>>, %arg9: memref<80x128xf32, #tpu.memory_space<vmem>>, %arg10: memref<!tpu.dma_semaphore, #tpu.memory_space<semaphore_mem>>, %arg11: memref<10000x128xf32, #tpu.memory_space<vmem_shared>>) attributes {dimension_semantics = [#tpu.dimension_semantics<core_parallel>, #tpu.dimension_semantics<subcore_parallel>], iteration_bounds = array<i64: 2, 16>, scalar_prefetch = 0 : i64, scratch_operands = 5 : i64, tpu.core_type = #tpu.core_type<sc_vector_subcore>, window_params = [{transform_indices = #map}, {transform_indices = #map1}, {transform_indices = #map1}, {transform_indices = #map}, {transform_indices = #map1}]} {
    %mul3A = arith.constant 2 : i32
    %mul3A_0 = arith.muli %arg1, %mul3A : i32
    %add3A = arith.addi %mul3A_0, %arg0 : i32
    %mul3A_1 = arith.constant 624 : i32
    %mul3A_2 = arith.muli %arg1, %mul3A_1 : i32
    %mul3A_3 = arith.constant 624 : i32
    %mul3A_4 = arith.muli %arg1, %mul3A_3 : i32
    "tpu.region"() ({
      %run_scoped3A = tpu.sem_alloc : memref<!tpu.dma_semaphore, #tpu.memory_space<semaphore_mem>>
      %dma_start3A = arith.constant 0 : i32
      %dma_start3A_22 = tpu.memref_slice %arg11[%mul3A_4, %dma_start3A] : memref<10000x128xf32, #tpu.memory_space<vmem_shared>> -> memref<624x128xf32, #tpu.memory_space<vmem_shared>>
      %dma_start3A_23 = arith.constant 0 : i32
      %dma_start3A_24 = tpu.memref_slice %arg5[%mul3A_2, %dma_start3A_23] : memref<10000x128xf32, #tpu.memory_space<hbm>> -> memref<624x128xf32, #tpu.memory_space<hbm>>
      tpu.enqueue_dma source(%dma_start3A_24 : memref<624x128xf32, #tpu.memory_space<hbm>>) target(%dma_start3A_22 : memref<624x128xf32, #tpu.memory_space<vmem_shared>>) target_semaphore(%run_scoped3A : memref<!tpu.dma_semaphore, #tpu.memory_space<semaphore_mem>>)
      %dma_wait3A = arith.constant 0 : i32
      %dma_wait3A_25 = tpu.memref_slice %arg11[%mul3A_4, %dma_wait3A] : memref<10000x128xf32, #tpu.memory_space<vmem_shared>> -> memref<624x128xf32, #tpu.memory_space<vmem_shared>>
      %dma_wait3A_26 = arith.constant 0 : i32
      %dma_wait3A_27 = tpu.memref_slice %arg5[%mul3A_2, %dma_wait3A_26] : memref<10000x128xf32, #tpu.memory_space<hbm>> -> memref<624x128xf32, #tpu.memory_space<hbm>>
      tpu.wait_dma2 semaphore(%run_scoped3A : memref<!tpu.dma_semaphore, #tpu.memory_space<semaphore_mem>>) src(%dma_wait3A_27 : memref<624x128xf32, #tpu.memory_space<hbm>>) dst(%dma_wait3A_25 : memref<624x128xf32, #tpu.memory_space<vmem_shared>>)
      tpu.yield
    }) : () -> ()
    %eq3A = arith.constant 15 : i32
    %eq3A_5 = arith.cmpi eq, %arg1, %eq3A : i32
    %convert_element_type3A = arith.extui %eq3A_5 : i1 to i32
    %cond3A = arith.constant 0 : i32
    %cond3A_6 = arith.cmpi ne, %convert_element_type3A, %cond3A : i32
    scf.if %cond3A_6 {
      "tpu.region"() ({
        %run_scoped3A = tpu.sem_alloc : memref<!tpu.dma_semaphore, #tpu.memory_space<semaphore_mem>>
        %dma_start3A = arith.constant 9984 : i32
        %dma_start3A_22 = arith.constant 0 : i32
        %dma_start3A_23 = tpu.memref_slice %arg11[%dma_start3A, %dma_start3A_22] : memref<10000x128xf32, #tpu.memory_space<vmem_shared>> -> memref<16x128xf32, #tpu.memory_space<vmem_shared>>
        %dma_start3A_24 = arith.constant 9984 : i32
        %dma_start3A_25 = arith.constant 0 : i32
        %dma_start3A_26 = tpu.memref_slice %arg5[%dma_start3A_24, %dma_start3A_25] : memref<10000x128xf32, #tpu.memory_space<hbm>> -> memref<16x128xf32, #tpu.memory_space<hbm>>
        tpu.enqueue_dma source(%dma_start3A_26 : memref<16x128xf32, #tpu.memory_space<hbm>>) target(%dma_start3A_23 : memref<16x128xf32, #tpu.memory_space<vmem_shared>>) target_semaphore(%run_scoped3A : memref<!tpu.dma_semaphore, #tpu.memory_space<semaphore_mem>>)
        %dma_wait3A = arith.constant 9984 : i32
        %dma_wait3A_27 = arith.constant 0 : i32
        %dma_wait3A_28 = tpu.memref_slice %arg11[%dma_wait3A, %dma_wait3A_27] : memref<10000x128xf32, #tpu.memory_space<vmem_shared>> -> memref<16x128xf32, #tpu.memory_space<vmem_shared>>
        %dma_wait3A_29 = arith.constant 9984 : i32
        %dma_wait3A_30 = arith.constant 0 : i32
        %dma_wait3A_31 = tpu.memref_slice %arg5[%dma_wait3A_29, %dma_wait3A_30] : memref<10000x128xf32, #tpu.memory_space<hbm>> -> memref<16x128xf32, #tpu.memory_space<hbm>>
        tpu.wait_dma2 semaphore(%run_scoped3A : memref<!tpu.dma_semaphore, #tpu.memory_space<semaphore_mem>>) src(%dma_wait3A_31 : memref<16x128xf32, #tpu.memory_space<hbm>>) dst(%dma_wait3A_28 : memref<16x128xf32, #tpu.memory_space<vmem_shared>>)
        tpu.yield
      }) : () -> ()
    } else {
    }
    "tpu.region"() ({
      %run_scoped3A = tpu.sem_alloc : memref<!tpu.dma_semaphore, #tpu.memory_space<semaphore_mem>>
      %dma_start3A = arith.constant 0 : i32
      %dma_start3A_22 = arith.constant 0 : i32
      %dma_start3A_23 = tpu.memref_slice %arg3[%add3A, %dma_start3A, %dma_start3A_22] : memref<32x125x80xi32, #tpu.memory_space<hbm>> -> memref<1x125x80xi32, #tpu.memory_space<hbm>>
      %dma_start3A_24 = tpu.memref_squeeze %dma_start3A_23 : memref<1x125x80xi32, #tpu.memory_space<hbm>> -> memref<125x80xi32, #tpu.memory_space<hbm>>
      %dma_start3A_25 = arith.constant 0 : i32
      %dma_start3A_26 = arith.constant 0 : i32
      %dma_start3A_27 = tpu.memref_slice %arg3[%add3A, %dma_start3A_25, %dma_start3A_26] : memref<32x125x80xi32, #tpu.memory_space<hbm>> -> memref<1x125x80xi32, #tpu.memory_space<hbm>>
      %dma_start3A_28 = tpu.memref_squeeze %dma_start3A_27 : memref<1x125x80xi32, #tpu.memory_space<hbm>> -> memref<125x80xi32, #tpu.memory_space<hbm>>
      tpu.enqueue_dma source(%dma_start3A_28 : memref<125x80xi32, #tpu.memory_space<hbm>>) target(%arg7 : memref<125x80xi32, #tpu.memory_space<vmem>>) target_semaphore(%run_scoped3A : memref<!tpu.dma_semaphore, #tpu.memory_space<semaphore_mem>>)
      %dma_wait3A = arith.constant 0 : i32
      %dma_wait3A_29 = arith.constant 0 : i32
      %dma_wait3A_30 = tpu.memref_slice %arg3[%add3A, %dma_wait3A, %dma_wait3A_29] : memref<32x125x80xi32, #tpu.memory_space<hbm>> -> memref<1x125x80xi32, #tpu.memory_space<hbm>>
      %dma_wait3A_31 = tpu.memref_squeeze %dma_wait3A_30 : memref<1x125x80xi32, #tpu.memory_space<hbm>> -> memref<125x80xi32, #tpu.memory_space<hbm>>
      %dma_wait3A_32 = arith.constant 0 : i32
      %dma_wait3A_33 = arith.constant 0 : i32
      %dma_wait3A_34 = tpu.memref_slice %arg3[%add3A, %dma_wait3A_32, %dma_wait3A_33] : memref<32x125x80xi32, #tpu.memory_space<hbm>> -> memref<1x125x80xi32, #tpu.memory_space<hbm>>
      %dma_wait3A_35 = tpu.memref_squeeze %dma_wait3A_34 : memref<1x125x80xi32, #tpu.memory_space<hbm>> -> memref<125x80xi32, #tpu.memory_space<hbm>>
      tpu.wait_dma2 semaphore(%run_scoped3A : memref<!tpu.dma_semaphore, #tpu.memory_space<semaphore_mem>>) src(%dma_wait3A_35 : memref<125x80xi32, #tpu.memory_space<hbm>>) dst(%arg7 : memref<125x80xi32, #tpu.memory_space<vmem>>)
      tpu.yield
    }) : () -> ()
    "tpu.region"() ({
      %run_scoped3A = tpu.sem_alloc : memref<!tpu.dma_semaphore, #tpu.memory_space<semaphore_mem>>
      %dma_start3A = arith.constant 0 : i32
      %dma_start3A_22 = arith.constant 0 : i32
      %dma_start3A_23 = tpu.memref_slice %arg4[%add3A, %dma_start3A, %dma_start3A_22] : memref<32x125x80xi32, #tpu.memory_space<hbm>> -> memref<1x125x80xi32, #tpu.memory_space<hbm>>
      %dma_start3A_24 = tpu.memref_squeeze %dma_start3A_23 : memref<1x125x80xi32, #tpu.memory_space<hbm>> -> memref<125x80xi32, #tpu.memory_space<hbm>>
      %dma_start3A_25 = arith.constant 0 : i32
      %dma_start3A_26 = arith.constant 0 : i32
      %dma_start3A_27 = tpu.memref_slice %arg4[%add3A, %dma_start3A_25, %dma_start3A_26] : memref<32x125x80xi32, #tpu.memory_space<hbm>> -> memref<1x125x80xi32, #tpu.memory_space<hbm>>
      %dma_start3A_28 = tpu.memref_squeeze %dma_start3A_27 : memref<1x125x80xi32, #tpu.memory_space<hbm>> -> memref<125x80xi32, #tpu.memory_space<hbm>>
      tpu.enqueue_dma source(%dma_start3A_28 : memref<125x80xi32, #tpu.memory_space<hbm>>) target(%arg8 : memref<125x80xi32, #tpu.memory_space<vmem>>) target_semaphore(%run_scoped3A : memref<!tpu.dma_semaphore, #tpu.memory_space<semaphore_mem>>)
      %dma_wait3A = arith.constant 0 : i32
      %dma_wait3A_29 = arith.constant 0 : i32
      %dma_wait3A_30 = tpu.memref_slice %arg4[%add3A, %dma_wait3A, %dma_wait3A_29] : memref<32x125x80xi32, #tpu.memory_space<hbm>> -> memref<1x125x80xi32, #tpu.memory_space<hbm>>
      %dma_wait3A_31 = tpu.memref_squeeze %dma_wait3A_30 : memref<1x125x80xi32, #tpu.memory_space<hbm>> -> memref<125x80xi32, #tpu.memory_space<hbm>>
      %dma_wait3A_32 = arith.constant 0 : i32
      %dma_wait3A_33 = arith.constant 0 : i32
      %dma_wait3A_34 = tpu.memref_slice %arg4[%add3A, %dma_wait3A_32, %dma_wait3A_33] : memref<32x125x80xi32, #tpu.memory_space<hbm>> -> memref<1x125x80xi32, #tpu.memory_space<hbm>>
      %dma_wait3A_35 = tpu.memref_squeeze %dma_wait3A_34 : memref<1x125x80xi32, #tpu.memory_space<hbm>> -> memref<125x80xi32, #tpu.memory_space<hbm>>
      tpu.wait_dma2 semaphore(%run_scoped3A : memref<!tpu.dma_semaphore, #tpu.memory_space<semaphore_mem>>) src(%dma_wait3A_35 : memref<125x80xi32, #tpu.memory_space<hbm>>) dst(%arg8 : memref<125x80xi32, #tpu.memory_space<vmem>>)
      tpu.yield
    }) : () -> ()
    %barrier3A = arith.constant 0 : index
    tpu.barrier barrier_id(%barrier3A)
    %scan3A = arith.constant 0 : i32
    %scan3A_7 = arith.constant 0 : i32
    %scan3A_8 = arith.constant 125 : i32
    %scan3A_9 = arith.addi %scan3A_7, %scan3A_8 : i32
    %scan3A_10 = arith.constant 1 : i32
    scf.for %scan3A_22 = %scan3A_7 to %scan3A_9 step %scan3A_10  : i32 {
      %dma_start3A = arith.constant 0 : i32
      %dma_start3A_23 = tpu.memref_slice %arg7[%scan3A_22, %dma_start3A] : memref<125x80xi32, #tpu.memory_space<vmem>> -> memref<1x80xi32, #tpu.memory_space<vmem>>
      %dma_start3A_24 = tpu.memref_squeeze %dma_start3A_23 : memref<1x80xi32, #tpu.memory_space<vmem>> -> memref<80xi32, #tpu.memory_space<vmem>>
      %dma_start3A_25 = arith.constant 0 : i32
      %dma_start3A_26 = arith.constant 0 : i32
      %dma_start3A_27 = tpu.memref_slice %arg2[%dma_start3A_25, %dma_start3A_26] : memref<10000x128xf32, #tpu.memory_space<hbm>> -> memref<10000x128xf32, #tpu.memory_space<hbm>>
      tpu.enqueue_indirect_dma source(%dma_start3A_27 : memref<10000x128xf32, #tpu.memory_space<hbm>>) target(%arg9 : memref<80x128xf32, #tpu.memory_space<vmem>>) offsets(%dma_start3A_24 : memref<80xi32, #tpu.memory_space<vmem>>) semaphore(%arg10 : memref<!tpu.dma_semaphore, #tpu.memory_space<semaphore_mem>>)
      %dma_wait3A = arith.constant 0 : i32
      %dma_wait3A_28 = tpu.memref_slice %arg7[%scan3A_22, %dma_wait3A] : memref<125x80xi32, #tpu.memory_space<vmem>> -> memref<1x80xi32, #tpu.memory_space<vmem>>
      %dma_wait3A_29 = tpu.memref_squeeze %dma_wait3A_28 : memref<1x80xi32, #tpu.memory_space<vmem>> -> memref<80xi32, #tpu.memory_space<vmem>>
      %dma_wait3A_30 = arith.constant 0 : i32
      %dma_wait3A_31 = arith.constant 0 : i32
      %dma_wait3A_32 = tpu.memref_slice %arg2[%dma_wait3A_30, %dma_wait3A_31] : memref<10000x128xf32, #tpu.memory_space<hbm>> -> memref<10000x128xf32, #tpu.memory_space<hbm>>
      tpu.wait_indirect_dma semaphore(%arg10 : memref<!tpu.dma_semaphore, #tpu.memory_space<semaphore_mem>>) src(%dma_wait3A_32 : memref<10000x128xf32, #tpu.memory_space<hbm>>) dst(%arg9 : memref<80x128xf32, #tpu.memory_space<vmem>>)
      "tpu.region"() ({
        %run_scoped3A = tpu.sem_alloc : memref<!tpu.dma_semaphore, #tpu.memory_space<semaphore_mem>>
        %dma_start3A_33 = arith.constant 0 : i32
        %dma_start3A_34 = tpu.memref_slice %arg8[%scan3A_22, %dma_start3A_33] : memref<125x80xi32, #tpu.memory_space<vmem>> -> memref<1x80xi32, #tpu.memory_space<vmem>>
        %dma_start3A_35 = tpu.memref_squeeze %dma_start3A_34 : memref<1x80xi32, #tpu.memory_space<vmem>> -> memref<80xi32, #tpu.memory_space<vmem>>
        %dma_start3A_36 = arith.constant 0 : i32
        %dma_start3A_37 = arith.constant 0 : i32
        %dma_start3A_38 = tpu.memref_slice %arg11[%dma_start3A_36, %dma_start3A_37] : memref<10000x128xf32, #tpu.memory_space<vmem_shared>> -> memref<10000x128xf32, #tpu.memory_space<vmem_shared>>
        tpu.enqueue_indirect_dma source(%arg9 : memref<80x128xf32, #tpu.memory_space<vmem>>) target(%dma_start3A_38 : memref<10000x128xf32, #tpu.memory_space<vmem_shared>>) offsets(%dma_start3A_35 : memref<80xi32, #tpu.memory_space<vmem>>) semaphore(%run_scoped3A : memref<!tpu.dma_semaphore, #tpu.memory_space<semaphore_mem>>) {add = true}
        %dma_wait3A_39 = arith.constant 0 : i32
        %dma_wait3A_40 = tpu.memref_slice %arg8[%scan3A_22, %dma_wait3A_39] : memref<125x80xi32, #tpu.memory_space<vmem>> -> memref<1x80xi32, #tpu.memory_space<vmem>>
        %dma_wait3A_41 = tpu.memref_squeeze %dma_wait3A_40 : memref<1x80xi32, #tpu.memory_space<vmem>> -> memref<80xi32, #tpu.memory_space<vmem>>
        %dma_wait3A_42 = arith.constant 0 : i32
        %dma_wait3A_43 = arith.constant 0 : i32
        %dma_wait3A_44 = tpu.memref_slice %arg11[%dma_wait3A_42, %dma_wait3A_43] : memref<10000x128xf32, #tpu.memory_space<vmem_shared>> -> memref<10000x128xf32, #tpu.memory_space<vmem_shared>>
        tpu.wait_indirect_dma semaphore(%run_scoped3A : memref<!tpu.dma_semaphore, #tpu.memory_space<semaphore_mem>>) src(%arg9 : memref<80x128xf32, #tpu.memory_space<vmem>>) dst(%dma_wait3A_44 : memref<10000x128xf32, #tpu.memory_space<vmem_shared>>)
        tpu.yield
      }) : () -> ()
    }
    %scan3A_11 = arith.constant 125 : i32
    %barrier3A_12 = arith.constant 0 : index
    tpu.barrier barrier_id(%barrier3A_12)
    %mul3A_13 = arith.constant 624 : i32
    %mul3A_14 = arith.muli %arg1, %mul3A_13 : i32
    %mul3A_15 = arith.constant 624 : i32
    %mul3A_16 = arith.muli %arg1, %mul3A_15 : i32
    "tpu.region"() ({
      %run_scoped3A = tpu.sem_alloc : memref<!tpu.dma_semaphore, #tpu.memory_space<semaphore_mem>>
      %dma_start3A = arith.constant 0 : i32
      %dma_start3A_22 = tpu.memref_slice %arg6[%arg0, %mul3A_16, %dma_start3A] : memref<2x10000x128xf32, #tpu.memory_space<hbm>> -> memref<1x624x128xf32, #tpu.memory_space<hbm>>
      %dma_start3A_23 = tpu.memref_squeeze %dma_start3A_22 : memref<1x624x128xf32, #tpu.memory_space<hbm>> -> memref<624x128xf32, #tpu.memory_space<hbm>>
      %dma_start3A_24 = arith.constant 0 : i32
      %dma_start3A_25 = tpu.memref_slice %arg11[%mul3A_14, %dma_start3A_24] : memref<10000x128xf32, #tpu.memory_space<vmem_shared>> -> memref<624x128xf32, #tpu.memory_space<vmem_shared>>
      tpu.enqueue_dma source(%dma_start3A_25 : memref<624x128xf32, #tpu.memory_space<vmem_shared>>) target(%dma_start3A_23 : memref<624x128xf32, #tpu.memory_space<hbm>>) target_semaphore(%run_scoped3A : memref<!tpu.dma_semaphore, #tpu.memory_space<semaphore_mem>>)
      %dma_wait3A = arith.constant 0 : i32
      %dma_wait3A_26 = tpu.memref_slice %arg6[%arg0, %mul3A_16, %dma_wait3A] : memref<2x10000x128xf32, #tpu.memory_space<hbm>> -> memref<1x624x128xf32, #tpu.memory_space<hbm>>
      %dma_wait3A_27 = tpu.memref_squeeze %dma_wait3A_26 : memref<1x624x128xf32, #tpu.memory_space<hbm>> -> memref<624x128xf32, #tpu.memory_space<hbm>>
      %dma_wait3A_28 = arith.constant 0 : i32
      %dma_wait3A_29 = tpu.memref_slice %arg11[%mul3A_14, %dma_wait3A_28] : memref<10000x128xf32, #tpu.memory_space<vmem_shared>> -> memref<624x128xf32, #tpu.memory_space<vmem_shared>>
      tpu.wait_dma2 semaphore(%run_scoped3A : memref<!tpu.dma_semaphore, #tpu.memory_space<semaphore_mem>>) src(%dma_wait3A_29 : memref<624x128xf32, #tpu.memory_space<vmem_shared>>) dst(%dma_wait3A_27 : memref<624x128xf32, #tpu.memory_space<hbm>>)
      tpu.yield
    }) : () -> ()
    %eq3A_17 = arith.constant 15 : i32
    %eq3A_18 = arith.cmpi eq, %arg1, %eq3A_17 : i32
    %convert_element_type3A_19 = arith.extui %eq3A_18 : i1 to i32
    %cond3A_20 = arith.constant 0 : i32
    %cond3A_21 = arith.cmpi ne, %convert_element_type3A_19, %cond3A_20 : i32
    scf.if %cond3A_21 {
      "tpu.region"() ({
        %run_scoped3A = tpu.sem_alloc : memref<!tpu.dma_semaphore, #tpu.memory_space<semaphore_mem>>
        %dma_start3A = arith.constant 9984 : i32
        %dma_start3A_22 = arith.constant 0 : i32
        %dma_start3A_23 = tpu.memref_slice %arg6[%arg0, %dma_start3A, %dma_start3A_22] : memref<2x10000x128xf32, #tpu.memory_space<hbm>> -> memref<1x16x128xf32, #tpu.memory_space<hbm>>
        %dma_start3A_24 = tpu.memref_squeeze %dma_start3A_23 : memref<1x16x128xf32, #tpu.memory_space<hbm>> -> memref<16x128xf32, #tpu.memory_space<hbm>>
        %dma_start3A_25 = arith.constant 9984 : i32
        %dma_start3A_26 = arith.constant 0 : i32
        %dma_start3A_27 = tpu.memref_slice %arg11[%dma_start3A_25, %dma_start3A_26] : memref<10000x128xf32, #tpu.memory_space<vmem_shared>> -> memref<16x128xf32, #tpu.memory_space<vmem_shared>>
        tpu.enqueue_dma source(%dma_start3A_27 : memref<16x128xf32, #tpu.memory_space<vmem_shared>>) target(%dma_start3A_24 : memref<16x128xf32, #tpu.memory_space<hbm>>) target_semaphore(%run_scoped3A : memref<!tpu.dma_semaphore, #tpu.memory_space<semaphore_mem>>)
        %dma_wait3A = arith.constant 9984 : i32
        %dma_wait3A_28 = arith.constant 0 : i32
        %dma_wait3A_29 = tpu.memref_slice %arg6[%arg0, %dma_wait3A, %dma_wait3A_28] : memref<2x10000x128xf32, #tpu.memory_space<hbm>> -> memref<1x16x128xf32, #tpu.memory_space<hbm>>
        %dma_wait3A_30 = tpu.memref_squeeze %dma_wait3A_29 : memref<1x16x128xf32, #tpu.memory_space<hbm>> -> memref<16x128xf32, #tpu.memory_space<hbm>>
        %dma_wait3A_31 = arith.constant 9984 : i32
        %dma_wait3A_32 = arith.constant 0 : i32
        %dma_wait3A_33 = tpu.memref_slice %arg11[%dma_wait3A_31, %dma_wait3A_32] : memref<10000x128xf32, #tpu.memory_space<vmem_shared>> -> memref<16x128xf32, #tpu.memory_space<vmem_shared>>
        tpu.wait_dma2 semaphore(%run_scoped3A : memref<!tpu.dma_semaphore, #tpu.memory_space<semaphore_mem>>) src(%dma_wait3A_33 : memref<16x128xf32, #tpu.memory_space<vmem_shared>>) dst(%dma_wait3A_30 : memref<16x128xf32, #tpu.memory_space<hbm>>)
        tpu.yield
      }) : () -> ()
    } else {
    }
    return
  }
}

#map = affine_map<(d0, d1) -> (0, 0)>
#map1 = affine_map<(d0, d1) -> (0)>
module attributes {stable_mosaic.version = 14 : i64} {
  func.func @_hist(%arg0: i32, %arg1: i32, %arg2: memref<32x10000xi32, #tpu.memory_space<hbm>>, %arg3: memref<10000xf32, #tpu.memory_space<hbm>>, %arg4: memref<32x10000xf32, #tpu.memory_space<hbm>>, %arg5: memref<10000xi32, #tpu.memory_space<vmem>>, %arg6: memref<10000xf32, #tpu.memory_space<vmem>>) attributes {dimension_semantics = [#tpu.dimension_semantics<core_parallel>, #tpu.dimension_semantics<subcore_parallel>], iteration_bounds = array<i64: 2, 16>, scalar_prefetch = 0 : i64, scratch_operands = 2 : i64, tpu.core_type = #tpu.core_type<sc_vector_subcore>, window_params = [{transform_indices = #map}, {transform_indices = #map1}, {transform_indices = #map}]} {
    %mul3A = arith.constant 2 : i32
    %mul3A_0 = arith.muli %arg1, %mul3A : i32
    %add3A = arith.addi %mul3A_0, %arg0 : i32
    "tpu.region"() ({
      %run_scoped3A = tpu.sem_alloc : memref<!tpu.dma_semaphore, #tpu.memory_space<semaphore_mem>>
      %dma_start3A = arith.constant 0 : i32
      %dma_start3A_7 = tpu.memref_slice %arg2[%add3A, %dma_start3A] : memref<32x10000xi32, #tpu.memory_space<hbm>> -> memref<1x10000xi32, #tpu.memory_space<hbm>>
      %dma_start3A_8 = tpu.memref_squeeze %dma_start3A_7 : memref<1x10000xi32, #tpu.memory_space<hbm>> -> memref<10000xi32, #tpu.memory_space<hbm>>
      %dma_start3A_9 = arith.constant 0 : i32
      %dma_start3A_10 = tpu.memref_slice %arg2[%add3A, %dma_start3A_9] : memref<32x10000xi32, #tpu.memory_space<hbm>> -> memref<1x10000xi32, #tpu.memory_space<hbm>>
      %dma_start3A_11 = tpu.memref_squeeze %dma_start3A_10 : memref<1x10000xi32, #tpu.memory_space<hbm>> -> memref<10000xi32, #tpu.memory_space<hbm>>
      tpu.enqueue_dma source(%dma_start3A_11 : memref<10000xi32, #tpu.memory_space<hbm>>) target(%arg5 : memref<10000xi32, #tpu.memory_space<vmem>>) target_semaphore(%run_scoped3A : memref<!tpu.dma_semaphore, #tpu.memory_space<semaphore_mem>>)
      %dma_wait3A = arith.constant 0 : i32
      %dma_wait3A_12 = tpu.memref_slice %arg2[%add3A, %dma_wait3A] : memref<32x10000xi32, #tpu.memory_space<hbm>> -> memref<1x10000xi32, #tpu.memory_space<hbm>>
      %dma_wait3A_13 = tpu.memref_squeeze %dma_wait3A_12 : memref<1x10000xi32, #tpu.memory_space<hbm>> -> memref<10000xi32, #tpu.memory_space<hbm>>
      %dma_wait3A_14 = arith.constant 0 : i32
      %dma_wait3A_15 = tpu.memref_slice %arg2[%add3A, %dma_wait3A_14] : memref<32x10000xi32, #tpu.memory_space<hbm>> -> memref<1x10000xi32, #tpu.memory_space<hbm>>
      %dma_wait3A_16 = tpu.memref_squeeze %dma_wait3A_15 : memref<1x10000xi32, #tpu.memory_space<hbm>> -> memref<10000xi32, #tpu.memory_space<hbm>>
      tpu.wait_dma2 semaphore(%run_scoped3A : memref<!tpu.dma_semaphore, #tpu.memory_space<semaphore_mem>>) src(%dma_wait3A_16 : memref<10000xi32, #tpu.memory_space<hbm>>) dst(%arg5 : memref<10000xi32, #tpu.memory_space<vmem>>)
      tpu.yield
    }) : () -> ()
    "tpu.region"() ({
      %run_scoped3A = tpu.sem_alloc : memref<!tpu.dma_semaphore, #tpu.memory_space<semaphore_mem>>
      tpu.enqueue_dma source(%arg3 : memref<10000xf32, #tpu.memory_space<hbm>>) target(%arg6 : memref<10000xf32, #tpu.memory_space<vmem>>) target_semaphore(%run_scoped3A : memref<!tpu.dma_semaphore, #tpu.memory_space<semaphore_mem>>)
      tpu.wait_dma2 semaphore(%run_scoped3A : memref<!tpu.dma_semaphore, #tpu.memory_space<semaphore_mem>>) src(%arg3 : memref<10000xf32, #tpu.memory_space<hbm>>) dst(%arg6 : memref<10000xf32, #tpu.memory_space<vmem>>)
      tpu.yield
    }) : () -> ()
    %broadcast_in_dim3A = arith.constant 1.000000e+00 : f32
    %broadcast_in_dim3A_1 = vector.broadcast %broadcast_in_dim3A : f32 to vector<16xf32>
    %scan3A = arith.constant 0 : i32
    %scan3A_2 = arith.constant 0 : i32
    %scan3A_3 = arith.constant 625 : i32
    %scan3A_4 = arith.addi %scan3A_2, %scan3A_3 : i32
    %scan3A_5 = arith.constant 1 : i32
    scf.for %scan3A_7 = %scan3A_2 to %scan3A_4 step %scan3A_5  : i32 {
      %mul3A_8 = arith.constant 16 : i32
      %mul3A_9 = arith.muli %scan3A_7, %mul3A_8 : i32
      %get3A = arith.index_cast %mul3A_9 : i32 to index
      %get3A_10 = tpu.vector_load %arg5[%get3A] {strides = array<i32>} : memref<10000xi32, #tpu.memory_space<vmem>>, vector<16xi32>,
      tpu.vector_store_idx %arg6[%get3A_10], %broadcast_in_dim3A_1 {add = true} : memref<10000xf32, #tpu.memory_space<vmem>>[vector<16xi32>], vector<16xf32>,
    }
    %scan3A_6 = arith.constant 625 : i32
    "tpu.region"() ({
      %run_scoped3A = tpu.sem_alloc : memref<!tpu.dma_semaphore, #tpu.memory_space<semaphore_mem>>
      %dma_start3A = arith.constant 0 : i32
      %dma_start3A_7 = tpu.memref_slice %arg4[%add3A, %dma_start3A] : memref<32x10000xf32, #tpu.memory_space<hbm>> -> memref<1x10000xf32, #tpu.memory_space<hbm>>
      %dma_start3A_8 = tpu.memref_squeeze %dma_start3A_7 : memref<1x10000xf32, #tpu.memory_space<hbm>> -> memref<10000xf32, #tpu.memory_space<hbm>>
      %dma_start3A_9 = arith.constant 0 : i32
      %dma_start3A_10 = tpu.memref_slice %arg4[%add3A, %dma_start3A_9] : memref<32x10000xf32, #tpu.memory_space<hbm>> -> memref<1x10000xf32, #tpu.memory_space<hbm>>
      %dma_start3A_11 = tpu.memref_squeeze %dma_start3A_10 : memref<1x10000xf32, #tpu.memory_space<hbm>> -> memref<10000xf32, #tpu.memory_space<hbm>>
      tpu.enqueue_dma source(%arg6 : memref<10000xf32, #tpu.memory_space<vmem>>) target(%dma_start3A_11 : memref<10000xf32, #tpu.memory_space<hbm>>) target_semaphore(%run_scoped3A : memref<!tpu.dma_semaphore, #tpu.memory_space<semaphore_mem>>)
      %dma_wait3A = arith.constant 0 : i32
      %dma_wait3A_12 = tpu.memref_slice %arg4[%add3A, %dma_wait3A] : memref<32x10000xf32, #tpu.memory_space<hbm>> -> memref<1x10000xf32, #tpu.memory_space<hbm>>
      %dma_wait3A_13 = tpu.memref_squeeze %dma_wait3A_12 : memref<1x10000xf32, #tpu.memory_space<hbm>> -> memref<10000xf32, #tpu.memory_space<hbm>>
      %dma_wait3A_14 = arith.constant 0 : i32
      %dma_wait3A_15 = tpu.memref_slice %arg4[%add3A, %dma_wait3A_14] : memref<32x10000xf32, #tpu.memory_space<hbm>> -> memref<1x10000xf32, #tpu.memory_space<hbm>>
      %dma_wait3A_16 = tpu.memref_squeeze %dma_wait3A_15 : memref<1x10000xf32, #tpu.memory_space<hbm>> -> memref<10000xf32, #tpu.memory_space<hbm>>
      tpu.wait_dma2 semaphore(%run_scoped3A : memref<!tpu.dma_semaphore, #tpu.memory_space<semaphore_mem>>) src(%arg6 : memref<10000xf32, #tpu.memory_space<vmem>>) dst(%dma_wait3A_16 : memref<10000xf32, #tpu.memory_space<hbm>>)
      tpu.yield
    }) : () -> ()
    return
  }
}

module attributes {stable_mosaic.version = 14 : i64} {
  func.func @_y_body(%arg0: i32, %arg1: memref<400x128xf32, #tpu.memory_space<vmem>>, %arg2: memref<128x128xf32, #tpu.memory_space<vmem>>, %arg3: memref<400x32xf32, #tpu.memory_space<vmem>>, %arg4: memref<400x128xf32, #tpu.memory_space<vmem>>) attributes {dimension_semantics = [#tpu.dimension_semantics<arbitrary>], iteration_bounds = array<i64: 25>, scalar_prefetch = 0 : i64, scratch_operands = 0 : i64, tpu.core_type = #tpu.core_type<tc>, window_params = [{transform_indices = @transform_0, window_bounds = array<i64: 400, 128>}, {pipeline_mode = #tpu.pipeline_mode<synchronous>, transform_indices = @transform_1, window_bounds = array<i64: 128, 128>}, {transform_indices = @transform_2, window_bounds = array<i64: 400, 32>}, {transform_indices = @transform_3, window_bounds = array<i64: 400, 128>}]} {
    %get3A = arith.constant 0 : index
    %get3A_0 = arith.constant 0 : index
    %get3A_1 = vector.load %arg3[%get3A, %get3A_0] : memref<400x32xf32, #tpu.memory_space<vmem>>, vector<400x32xf32>
    %reduce_sum3A = arith.constant dense<0.000000e+00> : vector<400xf32>
    %reduce_sum3A_2 = vector.multi_reduction <add>, %get3A_1, %reduce_sum3A [1] : vector<400x32xf32> to vector<400xf32>
    %add3A = arith.constant 1.000000e+00 : f32
    %add3A_3 = vector.broadcast %add3A : f32 to vector<400xf32>
    %add3A_4 = arith.addf %reduce_sum3A_2, %add3A_3 : vector<400xf32>
    %rsqrt3A = math.rsqrt %add3A_4 : vector<400xf32>
    %broadcast_in_dim3A = vector.shape_cast %rsqrt3A : vector<400xf32> to vector<400x1xf32>
    %get3A_5 = arith.constant 0 : index
    %get3A_6 = arith.constant 0 : index
    %get3A_7 = vector.load %arg1[%get3A_5, %get3A_6] : memref<400x128xf32, #tpu.memory_space<vmem>>, vector<400x128xf32>
    %get3A_8 = arith.constant 0 : index
    %get3A_9 = arith.constant 0 : index
    %get3A_10 = vector.load %arg2[%get3A_8, %get3A_9] : memref<128x128xf32, #tpu.memory_space<vmem>>, vector<128x128xf32>
    %dot_general3A = arith.constant dense<0.000000e+00> : vector<400x128xf32>
    %dot_general3A_11 = tpu.matmul %get3A_7, %get3A_10, %dot_general3A {dimension_numbers = #tpu.dot_dimension_numbers<[1], [0], [0], [1], [0, 0, 1, 1], [], []>, transpose_lhs_hint = false} : vector<400x128xf32>, vector<128x128xf32>, vector<400x128xf32> -> vector<400x128xf32>
    %mul3A = vector.broadcast %broadcast_in_dim3A : vector<400x1xf32> to vector<400x128xf32>
    %mul3A_12 = arith.mulf %dot_general3A_11, %mul3A : vector<400x128xf32>
    %swap3A = arith.constant 0 : index
    %swap3A_13 = arith.constant 0 : index
    %swap3A_14 = vector.load %arg4[%swap3A, %swap3A_13] : memref<400x128xf32, #tpu.memory_space<vmem>>, vector<400x128xf32>
    tpu.vector_store %arg4[%swap3A, %swap3A_13], %mul3A_12 {strides = array<i32>} : memref<400x128xf32, #tpu.memory_space<vmem>>, vector<400x128xf32>,
    return
  }
  func.func @transform_0(%arg0: i32) -> (i32, i32) {
    %c0_i32 = arith.constant 0 : i32
    %c0_i32_0 = arith.constant 0 : i32
    return %arg0, %c0_i32 : i32, i32
  }
  func.func @transform_1(%arg0: i32) -> (i32, i32) {
    %c0_i32 = arith.constant 0 : i32
    %c0_i32_0 = arith.constant 0 : i32
    %c0_i32_1 = arith.constant 0 : i32
    return %c0_i32, %c0_i32_0 : i32, i32
  }
  func.func @transform_2(%arg0: i32) -> (i32, i32) {
    %c0_i32 = arith.constant 0 : i32
    %c0_i32_0 = arith.constant 0 : i32
    return %arg0, %c0_i32 : i32, i32
  }
  func.func @transform_3(%arg0: i32) -> (i32, i32) {
    %c0_i32 = arith.constant 0 : i32
    %c0_i32_0 = arith.constant 0 : i32
    return %arg0, %c0_i32 : i32, i32
  }
}

module attributes {stable_mosaic.version = 14 : i64} {
  func.func @_final_body(%arg0: i32, %arg1: memref<2x400x128xf32, #tpu.memory_space<vmem>>, %arg2: memref<400x128xf32, #tpu.memory_space<vmem>>, %arg3: memref<400x32xf32, #tpu.memory_space<vmem>>, %arg4: memref<128xf32, #tpu.memory_space<vmem>>, %arg5: memref<400x128xf32, #tpu.memory_space<vmem>>) attributes {dimension_semantics = [#tpu.dimension_semantics<arbitrary>], iteration_bounds = array<i64: 25>, scalar_prefetch = 0 : i64, scratch_operands = 0 : i64, tpu.core_type = #tpu.core_type<tc>, window_params = [{transform_indices = @transform_0, window_bounds = array<i64: 2, 400, 128>}, {transform_indices = @transform_1, window_bounds = array<i64: 400, 128>}, {transform_indices = @transform_2, window_bounds = array<i64: 400, 32>}, {pipeline_mode = #tpu.pipeline_mode<synchronous>, transform_indices = @transform_3, window_bounds = array<i64: 128>}, {transform_indices = @transform_4, window_bounds = array<i64: 400, 128>}]} {
    %get3A = arith.constant 0 : index
    %get3A_0 = arith.constant 0 : index
    %get3A_1 = vector.load %arg3[%get3A, %get3A_0] : memref<400x32xf32, #tpu.memory_space<vmem>>, vector<400x32xf32>
    %reduce_sum3A = arith.constant dense<0.000000e+00> : vector<400xf32>
    %reduce_sum3A_2 = vector.multi_reduction <add>, %get3A_1, %reduce_sum3A [1] : vector<400x32xf32> to vector<400xf32>
    %add3A = arith.constant 1.000000e+00 : f32
    %add3A_3 = vector.broadcast %add3A : f32 to vector<400xf32>
    %add3A_4 = arith.addf %reduce_sum3A_2, %add3A_3 : vector<400xf32>
    %rsqrt3A = math.rsqrt %add3A_4 : vector<400xf32>
    %broadcast_in_dim3A = vector.shape_cast %rsqrt3A : vector<400xf32> to vector<400x1xf32>
    %get3A_5 = arith.constant 0 : index
    %get3A_6 = arith.constant 0 : index
    %get3A_7 = arith.constant 0 : index
    %get3A_8 = vector.load %arg1[%get3A_5, %get3A_6, %get3A_7] : memref<2x400x128xf32, #tpu.memory_space<vmem>>, vector<1x400x128xf32>
    %get3A_9 = vector.shape_cast %get3A_8 : vector<1x400x128xf32> to vector<400x128xf32>
    %get3A_10 = arith.constant 1 : index
    %get3A_11 = arith.constant 0 : index
    %get3A_12 = arith.constant 0 : index
    %get3A_13 = vector.load %arg1[%get3A_10, %get3A_11, %get3A_12] : memref<2x400x128xf32, #tpu.memory_space<vmem>>, vector<1x400x128xf32>
    %get3A_14 = vector.shape_cast %get3A_13 : vector<1x400x128xf32> to vector<400x128xf32>
    %add3A_15 = arith.addf %get3A_9, %get3A_14 : vector<400x128xf32>
    %get3A_16 = arith.constant 0 : index
    %get3A_17 = arith.constant 0 : index
    %get3A_18 = vector.load %arg2[%get3A_16, %get3A_17] : memref<400x128xf32, #tpu.memory_space<vmem>>, vector<400x128xf32>
    %add3A_19 = arith.addf %add3A_15, %get3A_18 : vector<400x128xf32>
    %mul3A = vector.broadcast %broadcast_in_dim3A : vector<400x1xf32> to vector<400x128xf32>
    %mul3A_20 = arith.mulf %add3A_19, %mul3A : vector<400x128xf32>
    %get3A_21 = arith.constant 0 : index
    %get3A_22 = vector.load %arg4[%get3A_21] : memref<128xf32, #tpu.memory_space<vmem>>, vector<128xf32>
    %broadcast_in_dim3A_23 = vector.shape_cast %get3A_22 : vector<128xf32> to vector<1x128xf32>
    %add3A_24 = vector.broadcast %broadcast_in_dim3A_23 : vector<1x128xf32> to vector<400x128xf32>
    %add3A_25 = arith.addf %mul3A_20, %add3A_24 : vector<400x128xf32>
    %max3A = arith.constant 0.000000e+00 : f32
    %max3A_26 = vector.broadcast %max3A : f32 to vector<400x128xf32>
    %max3A_27 = arith.maximumf %add3A_25, %max3A_26 : vector<400x128xf32>
    %swap3A = arith.constant 0 : index
    %swap3A_28 = arith.constant 0 : index
    %swap3A_29 = vector.load %arg5[%swap3A, %swap3A_28] : memref<400x128xf32, #tpu.memory_space<vmem>>, vector<400x128xf32>
    tpu.vector_store %arg5[%swap3A, %swap3A_28], %max3A_27 {strides = array<i32>} : memref<400x128xf32, #tpu.memory_space<vmem>>, vector<400x128xf32>,
    return
  }
  func.func @transform_0(%arg0: i32) -> (i32, i32, i32) {
    %c0_i32 = arith.constant 0 : i32
    %c0_i32_0 = arith.constant 0 : i32
    %c0_i32_1 = arith.constant 0 : i32
    return %c0_i32, %arg0, %c0_i32_0 : i32, i32, i32
  }
  func.func @transform_1(%arg0: i32) -> (i32, i32) {
    %c0_i32 = arith.constant 0 : i32
    %c0_i32_0 = arith.constant 0 : i32
    return %arg0, %c0_i32 : i32, i32
  }
  func.func @transform_2(%arg0: i32) -> (i32, i32) {
    %c0_i32 = arith.constant 0 : i32
    %c0_i32_0 = arith.constant 0 : i32
    return %arg0, %c0_i32 : i32, i32
  }
  func.func @transform_3(%arg0: i32) -> i32 {
    %c0_i32 = arith.constant 0 : i32
    %c0_i32_0 = arith.constant 0 : i32
    return %c0_i32 : i32
  }
  func.func @transform_4(%arg0: i32) -> (i32, i32) {
    %c0_i32 = arith.constant 0 : i32
    %c0_i32_0 = arith.constant 0 : i32
    return %arg0, %c0_i32 : i32, i32
  }
}

</mosaic_0001>

<sc_bundles>
// kernel: kernel.6.cloned.1.call-start
scs
__scs_entry_jumppad:
0x0: {  	(pc) =	sbr.rel $0x88, $3  }
0x1: {  	(tag) =	ssettag $0x0;
	lr =	simm.s32 $0x1  }
0x2: {  	[smem:$0x3F9D] =	sst lr;
	_ =	strace $0xD0000000  }
0x3: {  	_ = 	snop  }
0x4: {  	_ = 	snop  }
0x5: {  	_ = 	snop  }
0x6: {  	_ = 	snop  }
0x7: {  	_ = 	snop  }
__scs_overlays_trampoline_lowered:
0x8: {  	[smem:$0x3FAC] =	sst s0  }
0x9: {  	[smem:$0x3FAD] =	sst s1  }
0xa: {  	[smem:$0x3FAE] =	sst s2  }
0xb: {  	[smem:$0x3FAF] =	sst s3  }
0xc: {  	[smem:$0x3FB0] =	sst s4  }
0xd: {  	[smem:$0x3FB1] =	sst s5  }
0xe: {  	[smem:$0x3FB2] =	sst s6  }
0xf: {  	[smem:$0x3FB3] =	sst s7  }
0x10: {  	[smem:$0x3FB4] =	sst s8  }
0x11: {  	[smem:$0x3FB5] =	sst s9;
	s0 =	simm.s32 @!p0 $0x0  }
0x12: {  	s1 =	sld [smem:$0x3F9B];
	s0 =	simm.s32 @p0 $0x1  }
0x13: {  	[smem:$0x3FB6] =	sst s0;
	s0 =	simm.s32 @!p1 $0x0  }
0x14: {  	s2 =	sld [smem:$0x3F9A];
	s0 =	simm.s32 @p1 $0x1  }
0x15: {  	[smem:$0x3FB7] =	sst s0;
	s0 =	simm.s32 @!p2 $0x0  }
0x16: {  	s3 =	sld [smem:$0x3FDB];
	s0 =	simm.s32 @p2 $0x1  }
0x17: {  	s4 =	simm.s32 $0x1BF5;
	[smem:$0x3FB9] =	sst s0  }
0x18: {  	s0 =	sld [smem:$0x3F9C];
	_ =	swait.ge [sflag:s4], $0x0  }
0x19: {  	s7 =	sld [smem:$0x3F9D]  }
0x1a: {  	s8 =	sadd.s32 $0xFFFFE003, lr  }
0x1b: {  	s9 =	sadd.s32 $0xFFFFFEF7, lr;
	s5 =	simm.s32 $0xFFFFFFFF;
	p2 =	slt.u32 s8, $0xFFFFF086  }
0x1c: {  	p1 =	slt.u32 s9, $0xF7A;
	s5 =	simm.s32 @!p2 $0x0  }
0x1d: {  	s5 =	simm.s32 @p1 $0x1;
	p0 =	seq.s32 s7, s2  }
0x1e: {  	s7 =	smul.u32 @!p0 $0xF7A, s2;
	p2 =	seq.s32 @!p0 s5, $0x0  }
0x1f: {  	s9 =	smul.u32 $0xF7A, s1;
	s8 =	simm.s32 @!p0 $0x1BF5;
	p2 =	por !p2, p0  }
0x20: {  	[sflag:s8] =	ssyncset.s32 @!p0 $0xFFFFF086;
	s6 =	sadd.s32 @!p0 s3, s7;
	s7 =	simm.s32 @!p0 $0x108  }
0x21: {  	s3 =	sadd.s32 s3, s9;
	s6 =	sadd.s32 @!p0 $0x88, s6;
	s7 =	simm.s32 @p2 $0x1082  }
0x22: {  	[simem:s7], [sflag:s8] =	dma.local @!p0 [hbm:s6], $0xF7A  }
0x23: {  	s9 =	sor.u32 $0xD0000000, s2;
	s6 =	simm.s32 $0x108;
	_ =	swait.ge @!p0 [sflag:s8], $0x0  }
0x24: {  	s3 =	sadd.s32 $0x88, s3;
	s6 =	simm.s32 @!p1 $0x1082;
	[sflag:s4] =	ssyncset.s32 $0xFFFFF086  }
0x25: {  	[simem:s6], [sflag:s4] =	dma.local [hbm:s3], $0xF7A  }
0x26: {  	[smem:$0x3F9D] =	sst s1;
	(tag) =	ssettag s2;
	_ =	strace s9  }
0x27: {  	s1 =	sld [smem:$0x3FAD]  }
0x28: {  	s2 =	sld [smem:$0x3FAE]  }
0x29: {  	s4 =	sld [smem:$0x3FB0]  }
0x2a: {  	p0 =	seq.s32 s5, $0x0;
	s5 =	sld [smem:$0x3FB1]  }
0x2b: {  	s6 =	sld [smem:$0x3FB2]  }
0x2c: {  	s7 =	sld [smem:$0x3FB3]  }
0x2d: {  	s3 =	simm.s32 $0x108;
	s8 =	sld [smem:$0x3FB4]  }
0x2e: {  	s3 =	simm.s32 @!p0 $0x1082;
	s9 =	sld [smem:$0x3FB5]  }
0x2f: {  	lr =	sadd.s32 s0, s3;
	s0 =	sld [smem:$0x3FAC]  }
0x30: {  	s3 =	sld [smem:$0x3FAF]  }
0x31: {  	[smem:$0x3FB8] =	sst s10  }
0x32: {  	s10 =	sld [smem:$0x3FB6];
	_ =	sdelay $0x3  }
0x33: {  	p0 =	seq.s32 s10, $0x1;
	s10 =	sld [smem:$0x3FB8];
	_ =	sdelay $0x3  }
0x34: {  	[smem:$0x3FB8] =	sst s10  }
0x35: {  	s10 =	sld [smem:$0x3FB7];
	_ =	sdelay $0x3  }
0x36: {  	p1 =	seq.s32 s10, $0x1;
	s10 =	sld [smem:$0x3FB8];
	_ =	sdelay $0x3  }
0x37: {  	[smem:$0x3FB8] =	sst s10  }
0x38: {  	s10 =	sld [smem:$0x3FB9]  }
0x39: {  	_ = 	snop;
	(pc) =	sbr.ind lr, $3  }
0x3a: {  	_ = 	snop  }
0x3b: {  	_ = 	snop  }
0x3c: {  	p2 =	seq.s32 s10, $0x1;
	s10 =	sld [smem:$0x3FB8]  }
0x3d: {  	_ =	shalt  }
0x3e: {  	_ =	shalt  }
0x3f: {  	_ =	shalt  }
0x40: {  	_ =	shalt  }
0x41: {  	_ =	shalt  }
0x42: {  	_ =	shalt  }
0x43: {  	_ =	shalt  }
0x44: {  	_ =	shalt  }
0x45: {  	_ =	shalt  }
0x46: {  	_ =	shalt  }
0x47: {  	_ =	shalt  }
0x48: {  	_ =	shalt  }
0x49: {  	_ =	shalt  }
0x4a: {  	_ =	shalt  }
0x4b: {  	_ =	shalt  }
0x4c: {  	_ =	shalt  }
0x4d: {  	_ =	shalt  }
0x4e: {  	_ =	shalt  }
0x4f: {  	_ =	shalt  }
0x50: {  	_ =	shalt  }
0x51: {  	_ =	shalt  }
0x52: {  	_ =	shalt  }
0x53: {  	_ =	shalt  }
0x54: {  	_ =	shalt  }
0x55: {  	_ =	shalt  }
0x56: {  	_ =	shalt  }
0x57: {  	_ =	shalt  }
0x58: {  	_ =	shalt  }
0x59: {  	_ =	shalt  }
0x5a: {  	_ =	shalt  }
0x5b: {  	_ =	shalt  }
0x5c: {  	_ =	shalt  }
0x5d: {  	_ =	shalt  }
0x5e: {  	_ =	shalt  }
0x5f: {  	_ =	shalt  }
0x60: {  	_ =	shalt  }
0x61: {  	_ =	shalt  }
0x62: {  	_ =	shalt  }
0x63: {  	_ =	shalt  }
0x64: {  	_ =	shalt  }
0x65: {  	_ =	shalt  }
0x66: {  	_ =	shalt  }
0x67: {  	_ =	shalt  }
0x68: {  	_ =	shalt  }
0x69: {  	_ =	shalt  }
0x6a: {  	_ =	shalt  }
0x6b: {  	_ =	shalt  }
0x6c: {  	_ =	shalt  }
0x6d: {  	_ =	shalt  }
0x6e: {  	_ =	shalt  }
0x6f: {  	_ =	shalt  }
0x70: {  	_ =	shalt  }
0x71: {  	_ =	shalt  }
0x72: {  	_ =	shalt  }
0x73: {  	_ =	shalt  }
0x74: {  	_ =	shalt  }
0x75: {  	_ =	shalt  }
0x76: {  	_ =	shalt  }
0x77: {  	_ =	shalt  }
0x78: {  	_ =	shalt  }
0x79: {  	_ =	shalt  }
0x7a: {  	_ =	shalt  }
0x7b: {  	_ =	shalt  }
0x7c: {  	_ =	shalt  }
0x7d: {  	_ =	shalt  }
0x7e: {  	_ =	shalt  }
0x7f: {  	_ =	shalt  }
0x80: {  	_ =	shalt  }
0x81: {  	_ =	shalt  }
0x82: {  	_ =	shalt  }
0x83: {  	_ =	shalt  }
0x84: {  	_ =	shalt  }
0x85: {  	_ =	shalt  }
0x86: {  	_ =	shalt  }
0x87: {  	_ =	shalt  }
.Lfunc_end0:
.L_simem_size_0:
called_computation_lowered:
.L_overlay_start_0:
0x88: {  	s2 =	sld [smem:$0x3FD9]  }
0x89: {  	s3 =	sld [smem:$0x3FFE];
	_ =	sdelay $0x1  }
0x8a: {  	s1 =	srdreg.scid  }
0x8b: {  	s0 =	sand.u32 $0x1, s1  }
0x8c: {  	s17 =	sshll.u32 s0, $0xA;
	s2 =	sadd.s32 s3, s2  }
0x8d: {  	s2 =	sadd.s32 s2, s17  }
0x8e: {  	[smem:$0x3FC4] =	sst s2  }
0x8f: {  	_ = 	snop  }
0x90: {  	s2 =	sld [smem:$0x3FD0];
	(tm) =	ssettm $0x1  }
0x91: {  	s18 =	sld [smem:$0x3FFB];
	_ =	sdelay $0x3  }
0x92: {  	_ =	strace s18  }
0x93: {  	s3 =	sld [smem:$0x3FFC];
	_ =	sdelay $0x3  }
0x94: {  	_ =	strace s3  }
0x95: {  	s3 =	sld [smem:$0x3FFD];
	_ =	sdelay $0x3  }
0x96: {  	_ =	strace s3  }
0x97: {  	_ =	strace $0x8FFFFFFF  }
0x98: {  	s19 =	sld [smem:$0x3FDB];
	_ =	sdelay $0x1  }
0x99: {  	s4 =	simm.s32 $_scs_section_size  }
0x9a: {  	s5 =	simm.s32 $_size__tile_overlayer_lowered;
	s6 =	simm.s32 $_tile_overlayer_lowered  }
0x9b: {  	s22 =	simm.s32 $0x1BFF;
	s21 =	sshll.u32 s6, $0x1;
	s3 =	sadd.s32 s4, s19  }
0x9c: {  	s7 =	simm.s32 $0x0;
	s20 =	sshll.u32 s5, $0x1;
	s5 =	sadd.s32 s21, s3  }
0x9d: {  	[timem:s7], [sflag:s22] =	dma.local [hbm:s5], s20  }
0x9e: {  	_ =	swait.ge [sflag:s22], s20  }
0x9f: {  	s4 =	ssub.s32 $0x0, s20;
	[sflag:s22] =	ssyncset.done $0x0  }
0xa0: {  	[sflag:s22] =	ssyncadd.s32 s4;
	_ =	sdelay $0x1  }
0xa1: {  	s23 =	simm.s32 $0x1B8B  }
0xa2: {  	_ =	swait.ge [sflag:s23], $0x1  }
0xa3: {  	[sflag:s23] =	ssyncset.done $0x0  }
0xa4: {  	s25 =	simm.s32 $0x1B8E;
	s24 =	sld [smem:$0x3FFE];
	[sflag:s23] =	ssyncadd.s32 $0xFFFFFFFF  }
0xa5: {  	s26 =	simm.s32 $execute0_lowered;
	[smem:$0x3FD2] =	sst s25  }
0xa6: {  	s5 =	sshll.u32 s26, $0x1;
	_ =	strace $0x80000046;
	[dreg:$0x1] =	wrdreg $0xFFFFFFFF  }
0xa7: {  	s28 =	simm.s32 $_size_execute0_lowered;
	s3 =	sadd.s32 s3, s5;
	[dreg:$0x0] =	wrdreg $0x0  }
0xa8: {  	s5 =	sshll.u32 s28, $0x1;
	[dreg:$0x2] =	wrdreg s3  }
0xa9: {  	[dreg:$0x3] =	wrdreg s5  }
0xaa: {  	[dreg:$0x4] =	wrdreg $0xC0  }
0xab: {  	_ =	task [dreg:s7], $0x5FFFF  }
0xac: {  	[dreg:$0x1] =	wrdreg $0xFFFFFFFF  }
0xad: {  	[dreg:$0x0] =	wrdreg $0x60  }
0xae: {  	[dreg:$0x2] =	wrdreg s2  }
0xaf: {  	[dreg:$0x3] =	wrdreg s24  }
0xb0: {  	[dreg:$0x4] =	wrdreg $0x9  }
0xb1: {  	_ =	task.clear_ibuf [dreg:s7], $0x5FFFF;
	_ =	strace $0x90000046  }
0xb2: {  	s29 =	simm.s32 $0x9;
	_ =	strace $0x80000048  }
0xb3: {  	_ =	swait.ge [sflag:s29], $0x1  }
0xb4: {  	[sflag:s29] =	ssyncadd.s32 $0xFFFFFFFF  }
0xb5: {  	_ =	strace $0x90000048  }
0xb6: {  	_ =	sfence  }
0xb7: {  	s30 =	sld [smem:$0x0];
	_ =	sdelay $0x2  }
0xb8: {  	s31 =	sshll.u32 s1, $0xD;
	s1 =	sshrl.u32 s1, $0x2  }
0xb9: {  	s3 =	sand.u32 $0x4000, s31;
	s1 =	sadd.s32 s1, s30  }
0xba: {  	s0 =	sor.u32 s3, s0;
	s1 =	sshll.u32 s1, $0x11  }
0xbb: {  	s0 =	sor.u32 s1, s0  }
0xbc: {  	s0 =	sadd.s32 $0x8F2B, s0  }
0xbd: {  	[sflag:s0] =	ssyncadd.remote.s32 $0x1  }
0xbe: {  	_ =	sfence.sel $0xFFFF  }
0xbf: {  	[dreg:$0x0] =	wrdreg $0xFFFFFFFF;
	(pc) =	sbr.abs _section_cstart, $3  }
0xc0: {  	[dreg:$0x1] =	wrdreg $0xFFFFFFFF  }
0xc1: {  	_ =	task.clear_ibuf [dreg:s7], $0x2FFFF;
	_ =	strace $0x9FFFFFFF  }
0xc2: {  	(tm) =	ssettm $0x7FFFFFFF  }
0xc3: {  	_ =	shalt  }
tec
execute0_lowered:
.L_overlay_start_1:
0x0: {  	(tag) =	ssettag $0x1  }
0x1: {  	s4 =	rddreg [dreg:$0x0]  }
0x2: {  	s5 =	rddreg [dreg:$0x1];
	s1 =	srdreg.scid  }
0x3: {  	s0 =	stileid.u32;
	s9 =	simm.s32 $0x1;
	s10 =	simm.s32 $0x2780  }
0x4: {  	s11 =	simm.s32 $0x0;
	s3 =	sand.u32 $0x1, s1;
	s29 =	sshrl.u32 s0, $0x2  }
0x5: {  	s2 =	sshll.u32 s0, $0x8;
	s1 =	rddreg [dreg:$0x2];
	s6 =	smul.u32 $0x13C00, s29  }
0x6: {  	s7 =	sshll.u32 s3, $0x7;
	s8 =	sand.u32 $0x300, s2;
	s2 =	simm.s32 $0x0  }
0x7: {  	s30 =	ssub.s32 $0x2, s3;
	s3 =	sadd.s32 $0x1200, s5;
	s7 =	sor.u32 s7, s8  }
0x8: {  	[smem:$0x7FF] =	sst s2;
	s31 =	sshrl.u32 s30, $0x1;
	s6 =	sor.u32 s6, s7  }
0x9: {  	s8 =	simm.s32 $0x400;
	_ =	strace $0x80000047;
	s6 =	sshrl.u32 s6, $0x3  }
0xa: {  	s7 =	ssub.s32 s30, s31;
	s5 =	sadd.s32 s6, s5;
	s4 =	sadd.s32 s4, s6  }
0xb: {  	v0 =	vimm.f32 $1.000000000e+00;
	s6 =	smax.u32 s7, $0x1;
	s7 =	simm.s32 $0x80;
	s5 =	sadd.s32 $0x1800, s5  }
.LBB2_1:
0xc: {  	[tilespmem:s2], [sflag:$0x1] =	stream.strided.gather [hbm4b:s4+s7], $0x2780, s8, s7, $0x38;
	[tilespmem:$0x4F00] =	vst v63  }
0xd: {  	_ =	swait.ge [sflag:s9], $0x2780  }
0xe: {  	[sflag:s9] =	ssyncset.done $0x0  }
0xf: {  	[sflag:s9] =	ssyncadd.s32 $0xFFFFD880  }
0x10: {  	[tilespmem:s10], [sflag:$0x1] =	stream.linear.gather [hbm4b:s3+s2], $0x2780, $0x38;
	[tilespmem:$0x4F00] =	vst v63  }
0x11: {  	_ =	swait.ge [sflag:s9], $0x2780  }
0x12: {  	[sflag:s9] =	ssyncset.done $0x0  }
0x13: {  	s13 =	simm.s32 $0x0;
	s12 =	simm.s32 $0x40;
	[sflag:s9] =	ssyncadd.s32 $0xFFFFD880  }
.LBB2_2:
0x14: {  	p0 =	sne.s32 s12, $0x9C00;
	v1 =	vld [tilespmem:s13+$0x0];
	_ =	sdelay $0x3  }
.Ltmp0:
0x15: {  	(pc) =	sbr.rel @p0 .LBB2_2-.Ltmp0, $2  }
0x16: {  	_ =	sdelay $0x2  }
0x17: {  	s13 =	sshra.s32 s12, $0x2;
	s12 =	sadd.s32 $0x40, s12;
	[tilespmem:v1+s10+$0x0] =	vst.idx.add.f32.msk $0xffff, v0  }
0x18: {  	v1 =	vld [tilespmem:s13+$0x0];
	_ =	sdelay $0x5  }
0x19: {  	s11 =	sadd.s32 $0x1, s11  }
0x1a: {  	p0 =	sne.s32 s11, s6  }
.Ltmp1:
0x1b: {  	[tilespmem:v1+s10+$0x0] =	vst.idx.add.f32.msk $0xffff, v0;
	(pc) =	sbr.rel @p0 .LBB2_1-.Ltmp1, $4  }
0x1c: {  	[hbm4b:s5+s7] =	stream.strided.scatter [tilespmem:s10], [sflag:$0x1], $0x2780, s8, s7, $0x38;
	[tilespmem:$0x4F00] =	vst v63  }
0x1d: {  	_ =	swait.ge [sflag:s9], $0x2780  }
0x1e: {  	[sflag:s9] =	ssyncset.done $0x0  }
0x1f: {  	[sflag:s9] =	ssyncadd.s32 $0xFFFFD880  }
0x20: {  	_ =	sfence.sel $0x180000  }
0x21: {  	[bflag:$0x0] =	sbarrier.arrive $0xFFFF  }
0x22: {  	p0 =	sne.s32 s0, $0x0;
	_ =	strace $0x90000047  }
0x23: {  	s0 =	sadd.s32 @!p0 $0x100000, s1;
	[bflag:$0x2] =	sbarrier.arrive $0xFFFF  }
0x24: {  	[sflag:s0] =	ssyncadd.tile.s32 @!p0 $0x1;
	_ =	shalt  }
.Lfunc_end2:
_tile_overlayer_lowered:
.L_overlay_start_2:
0x25: {  	(tag) =	ssettag $0x2  }
0x26: {  	s0 =	rddreg [dreg:$0x0];
	s2 =	stileid.u32  }
0x27: {  	s1 =	rddreg [dreg:$0x1];
	p0 =	sne.s32 s2, $0x0  }
0x28: {  	s3 =	rddreg [dreg:$0x2];
	[bflag:$0x3] =	sbarrier.arrive $0xFFFF;
	s2 =	simm.s32 @!p0 $0x1C01  }
0x29: {  	[timem:s3], [sflag:s2] =	dma.local @!p0 [hbm:s0], s1  }
0x2a: {  	s0 =	simm.s32 @!p0 $0x1  }
0x2b: {  	_ =	swait.ge @!p0 [sflag:s0], s1  }
0x2c: {  	s1 =	ssub.s32 @!p0 $0x0, s1;
	[sflag:s0] =	ssyncset.done @!p0 $0x0  }
0x2d: {  	[sflag:s0] =	ssyncadd.s32 @!p0 s1  }
0x2e: {  	[bflag:$0x3] =	sbarrier.arrive $0xFFFF  }
0x2f: {  	_ =	shalt  }

// kernel: kernel.9.cloned.1.call-start
scs
__scs_entry_jumppad:
0x0: {  	(pc) =	sbr.rel $0x88, $3  }
0x1: {  	(tag) =	ssettag $0x0;
	lr =	simm.s32 $0x1  }
0x2: {  	[smem:$0x3F9D] =	sst lr;
	_ =	strace $0xD0000000  }
0x3: {  	_ = 	snop  }
0x4: {  	_ = 	snop  }
0x5: {  	_ = 	snop  }
0x6: {  	_ = 	snop  }
0x7: {  	_ = 	snop  }
__scs_overlays_trampoline_lowered:
0x8: {  	[smem:$0x3FAC] =	sst s0  }
0x9: {  	[smem:$0x3FAD] =	sst s1  }
0xa: {  	[smem:$0x3FAE] =	sst s2  }
0xb: {  	[smem:$0x3FAF] =	sst s3  }
0xc: {  	[smem:$0x3FB0] =	sst s4  }
0xd: {  	[smem:$0x3FB1] =	sst s5  }
0xe: {  	[smem:$0x3FB2] =	sst s6  }
0xf: {  	[smem:$0x3FB3] =	sst s7  }
0x10: {  	[smem:$0x3FB4] =	sst s8  }
0x11: {  	[smem:$0x3FB5] =	sst s9;
	s0 =	simm.s32 @!p0 $0x0  }
0x12: {  	s1 =	sld [smem:$0x3F9B];
	s0 =	simm.s32 @p0 $0x1  }
0x13: {  	[smem:$0x3FB6] =	sst s0;
	s0 =	simm.s32 @!p1 $0x0  }
0x14: {  	s2 =	sld [smem:$0x3F9A];
	s0 =	simm.s32 @p1 $0x1  }
0x15: {  	[smem:$0x3FB7] =	sst s0;
	s0 =	simm.s32 @!p2 $0x0  }
0x16: {  	s3 =	sld [smem:$0x3FDB];
	s0 =	simm.s32 @p2 $0x1  }
0x17: {  	s4 =	simm.s32 $0x1BF5;
	[smem:$0x3FB9] =	sst s0  }
0x18: {  	s0 =	sld [smem:$0x3F9C];
	_ =	swait.ge [sflag:s4], $0x0  }
0x19: {  	s7 =	sld [smem:$0x3F9D]  }
0x1a: {  	s8 =	sadd.s32 $0xFFFFE003, lr  }
0x1b: {  	s9 =	sadd.s32 $0xFFFFFEF7, lr;
	s5 =	simm.s32 $0xFFFFFFFF;
	p2 =	slt.u32 s8, $0xFFFFF086  }
0x1c: {  	p1 =	slt.u32 s9, $0xF7A;
	s5 =	simm.s32 @!p2 $0x0  }
0x1d: {  	s5 =	simm.s32 @p1 $0x1;
	p0 =	seq.s32 s7, s2  }
0x1e: {  	s7 =	smul.u32 @!p0 $0xF7A, s2;
	p2 =	seq.s32 @!p0 s5, $0x0  }
0x1f: {  	s9 =	smul.u32 $0xF7A, s1;
	s8 =	simm.s32 @!p0 $0x1BF5;
	p2 =	por !p2, p0  }
0x20: {  	[sflag:s8] =	ssyncset.s32 @!p0 $0xFFFFF086;
	s6 =	sadd.s32 @!p0 s3, s7;
	s7 =	simm.s32 @!p0 $0x108  }
0x21: {  	s3 =	sadd.s32 s3, s9;
	s6 =	sadd.s32 @!p0 $0x88, s6;
	s7 =	simm.s32 @p2 $0x1082  }
0x22: {  	[simem:s7], [sflag:s8] =	dma.local @!p0 [hbm:s6], $0xF7A  }
0x23: {  	s9 =	sor.u32 $0xD0000000, s2;
	s6 =	simm.s32 $0x108;
	_ =	swait.ge @!p0 [sflag:s8], $0x0  }
0x24: {  	s3 =	sadd.s32 $0x88, s3;
	s6 =	simm.s32 @!p1 $0x1082;
	[sflag:s4] =	ssyncset.s32 $0xFFFFF086  }
0x25: {  	[simem:s6], [sflag:s4] =	dma.local [hbm:s3], $0xF7A  }
0x26: {  	[smem:$0x3F9D] =	sst s1;
	(tag) =	ssettag s2;
	_ =	strace s9  }
0x27: {  	s1 =	sld [smem:$0x3FAD]  }
0x28: {  	s2 =	sld [smem:$0x3FAE]  }
0x29: {  	s4 =	sld [smem:$0x3FB0]  }
0x2a: {  	p0 =	seq.s32 s5, $0x0;
	s5 =	sld [smem:$0x3FB1]  }
0x2b: {  	s6 =	sld [smem:$0x3FB2]  }
0x2c: {  	s7 =	sld [smem:$0x3FB3]  }
0x2d: {  	s3 =	simm.s32 $0x108;
	s8 =	sld [smem:$0x3FB4]  }
0x2e: {  	s3 =	simm.s32 @!p0 $0x1082;
	s9 =	sld [smem:$0x3FB5]  }
0x2f: {  	lr =	sadd.s32 s0, s3;
	s0 =	sld [smem:$0x3FAC]  }
0x30: {  	s3 =	sld [smem:$0x3FAF]  }
0x31: {  	[smem:$0x3FB8] =	sst s10  }
0x32: {  	s10 =	sld [smem:$0x3FB6];
	_ =	sdelay $0x3  }
0x33: {  	p0 =	seq.s32 s10, $0x1;
	s10 =	sld [smem:$0x3FB8];
	_ =	sdelay $0x3  }
0x34: {  	[smem:$0x3FB8] =	sst s10  }
0x35: {  	s10 =	sld [smem:$0x3FB7];
	_ =	sdelay $0x3  }
0x36: {  	p1 =	seq.s32 s10, $0x1;
	s10 =	sld [smem:$0x3FB8];
	_ =	sdelay $0x3  }
0x37: {  	[smem:$0x3FB8] =	sst s10  }
0x38: {  	s10 =	sld [smem:$0x3FB9]  }
0x39: {  	_ = 	snop;
	(pc) =	sbr.ind lr, $3  }
0x3a: {  	_ = 	snop  }
0x3b: {  	_ = 	snop  }
0x3c: {  	p2 =	seq.s32 s10, $0x1;
	s10 =	sld [smem:$0x3FB8]  }
0x3d: {  	_ =	shalt  }
0x3e: {  	_ =	shalt  }
0x3f: {  	_ =	shalt  }
0x40: {  	_ =	shalt  }
0x41: {  	_ =	shalt  }
0x42: {  	_ =	shalt  }
0x43: {  	_ =	shalt  }
0x44: {  	_ =	shalt  }
0x45: {  	_ =	shalt  }
0x46: {  	_ =	shalt  }
0x47: {  	_ =	shalt  }
0x48: {  	_ =	shalt  }
0x49: {  	_ =	shalt  }
0x4a: {  	_ =	shalt  }
0x4b: {  	_ =	shalt  }
0x4c: {  	_ =	shalt  }
0x4d: {  	_ =	shalt  }
0x4e: {  	_ =	shalt  }
0x4f: {  	_ =	shalt  }
0x50: {  	_ =	shalt  }
0x51: {  	_ =	shalt  }
0x52: {  	_ =	shalt  }
0x53: {  	_ =	shalt  }
0x54: {  	_ =	shalt  }
0x55: {  	_ =	shalt  }
0x56: {  	_ =	shalt  }
0x57: {  	_ =	shalt  }
0x58: {  	_ =	shalt  }
0x59: {  	_ =	shalt  }
0x5a: {  	_ =	shalt  }
0x5b: {  	_ =	shalt  }
0x5c: {  	_ =	shalt  }
0x5d: {  	_ =	shalt  }
0x5e: {  	_ =	shalt  }
0x5f: {  	_ =	shalt  }
0x60: {  	_ =	shalt  }
0x61: {  	_ =	shalt  }
0x62: {  	_ =	shalt  }
0x63: {  	_ =	shalt  }
0x64: {  	_ =	shalt  }
0x65: {  	_ =	shalt  }
0x66: {  	_ =	shalt  }
0x67: {  	_ =	shalt  }
0x68: {  	_ =	shalt  }
0x69: {  	_ =	shalt  }
0x6a: {  	_ =	shalt  }
0x6b: {  	_ =	shalt  }
0x6c: {  	_ =	shalt  }
0x6d: {  	_ =	shalt  }
0x6e: {  	_ =	shalt  }
0x6f: {  	_ =	shalt  }
0x70: {  	_ =	shalt  }
0x71: {  	_ =	shalt  }
0x72: {  	_ =	shalt  }
0x73: {  	_ =	shalt  }
0x74: {  	_ =	shalt  }
0x75: {  	_ =	shalt  }
0x76: {  	_ =	shalt  }
0x77: {  	_ =	shalt  }
0x78: {  	_ =	shalt  }
0x79: {  	_ =	shalt  }
0x7a: {  	_ =	shalt  }
0x7b: {  	_ =	shalt  }
0x7c: {  	_ =	shalt  }
0x7d: {  	_ =	shalt  }
0x7e: {  	_ =	shalt  }
0x7f: {  	_ =	shalt  }
0x80: {  	_ =	shalt  }
0x81: {  	_ =	shalt  }
0x82: {  	_ =	shalt  }
0x83: {  	_ =	shalt  }
0x84: {  	_ =	shalt  }
0x85: {  	_ =	shalt  }
0x86: {  	_ =	shalt  }
0x87: {  	_ =	shalt  }
.Lfunc_end0:
.L_simem_size_0:
called_computation.1_lowered:
.L_overlay_start_0:
0x88: {  	s2 =	sld [smem:$0x3FD9]  }
0x89: {  	s3 =	sld [smem:$0x3FFE];
	_ =	sdelay $0x1  }
0x8a: {  	s1 =	srdreg.scid  }
0x8b: {  	s0 =	sand.u32 $0x1, s1  }
0x8c: {  	s17 =	sshll.u32 s0, $0xA;
	s2 =	sadd.s32 s3, s2  }
0x8d: {  	s2 =	sadd.s32 s2, s17  }
0x8e: {  	[smem:$0x3FC4] =	sst s2  }
0x8f: {  	_ = 	snop  }
0x90: {  	s2 =	sld [smem:$0x3FD0];
	(tm) =	ssettm $0x1  }
0x91: {  	s18 =	sld [smem:$0x3FFB];
	_ =	sdelay $0x3  }
0x92: {  	_ =	strace s18  }
0x93: {  	s3 =	sld [smem:$0x3FFC];
	_ =	sdelay $0x3  }
0x94: {  	_ =	strace s3  }
0x95: {  	s3 =	sld [smem:$0x3FFD];
	_ =	sdelay $0x3  }
0x96: {  	_ =	strace s3  }
0x97: {  	_ =	strace $0x8FFFFFFF  }
0x98: {  	s19 =	sld [smem:$0x3FDB];
	_ =	sdelay $0x1  }
0x99: {  	s4 =	simm.s32 $_scs_section_size  }
0x9a: {  	s5 =	simm.s32 $_size__tile_overlayer_lowered;
	s6 =	simm.s32 $_tile_overlayer_lowered  }
0x9b: {  	s22 =	simm.s32 $0x1BFF;
	s21 =	sshll.u32 s6, $0x1;
	s3 =	sadd.s32 s4, s19  }
0x9c: {  	s7 =	simm.s32 $0x0;
	s20 =	sshll.u32 s5, $0x1;
	s5 =	sadd.s32 s21, s3  }
0x9d: {  	[timem:s7], [sflag:s22] =	dma.local [hbm:s5], s20  }
0x9e: {  	_ =	swait.ge [sflag:s22], s20  }
0x9f: {  	s4 =	ssub.s32 $0x0, s20;
	[sflag:s22] =	ssyncset.done $0x0  }
0xa0: {  	[sflag:s22] =	ssyncadd.s32 s4;
	_ =	sdelay $0x1  }
0xa1: {  	s23 =	simm.s32 $0x1B8B  }
0xa2: {  	_ =	swait.ge [sflag:s23], $0x1  }
0xa3: {  	[sflag:s23] =	ssyncset.done $0x0  }
0xa4: {  	s25 =	simm.s32 $0x1B8E;
	s24 =	sld [smem:$0x3FFE];
	[sflag:s23] =	ssyncadd.s32 $0xFFFFFFFF  }
0xa5: {  	s26 =	simm.s32 $execute0_lowered;
	[smem:$0x3FD2] =	sst s25  }
0xa6: {  	s5 =	sshll.u32 s26, $0x1;
	_ =	strace $0x80000049;
	[dreg:$0x1] =	wrdreg $0xFFFFFFFF  }
0xa7: {  	s28 =	simm.s32 $_size_execute0_lowered;
	s3 =	sadd.s32 s3, s5;
	[dreg:$0x0] =	wrdreg $0x0  }
0xa8: {  	s5 =	sshll.u32 s28, $0x1;
	[dreg:$0x2] =	wrdreg s3  }
0xa9: {  	[dreg:$0x3] =	wrdreg s5  }
0xaa: {  	[dreg:$0x4] =	wrdreg $0xC0  }
0xab: {  	_ =	task [dreg:s7], $0x5FFFF  }
0xac: {  	[dreg:$0x1] =	wrdreg $0xFFFFFFFF  }
0xad: {  	[dreg:$0x0] =	wrdreg $0x60  }
0xae: {  	[dreg:$0x2] =	wrdreg s2  }
0xaf: {  	[dreg:$0x3] =	wrdreg s24  }
0xb0: {  	[dreg:$0x4] =	wrdreg $0xA8000  }
0xb1: {  	[dreg:$0x5] =	wrdreg $0x9  }
0xb2: {  	_ =	task.clear_ibuf [dreg:s7], $0x6FFFF;
	_ =	strace $0x90000049  }
0xb3: {  	s29 =	simm.s32 $0x9;
	_ =	strace $0x8000004B  }
0xb4: {  	_ =	swait.ge [sflag:s29], $0x1  }
0xb5: {  	[sflag:s29] =	ssyncadd.s32 $0xFFFFFFFF  }
0xb6: {  	_ =	strace $0x9000004B  }
0xb7: {  	_ =	sfence  }
0xb8: {  	s30 =	sld [smem:$0x0];
	_ =	sdelay $0x2  }
0xb9: {  	s31 =	sshll.u32 s1, $0xD;
	s1 =	sshrl.u32 s1, $0x2  }
0xba: {  	s3 =	sand.u32 $0x4000, s31;
	s1 =	sadd.s32 s1, s30  }
0xbb: {  	s0 =	sor.u32 s3, s0;
	s1 =	sshll.u32 s1, $0x11  }
0xbc: {  	s0 =	sor.u32 s1, s0  }
0xbd: {  	s0 =	sadd.s32 $0x8F2B, s0  }
0xbe: {  	[sflag:s0] =	ssyncadd.remote.s32 $0x1  }
0xbf: {  	_ =	sfence.sel $0xFFFF  }
0xc0: {  	[dreg:$0x0] =	wrdreg $0xFFFFFFFF;
	(pc) =	sbr.abs _section_cstart, $3  }
0xc1: {  	[dreg:$0x1] =	wrdreg $0xFFFFFFFF  }
0xc2: {  	_ =	task.clear_ibuf [dreg:s7], $0x2FFFF;
	_ =	strace $0x9FFFFFFF  }
0xc3: {  	(tm) =	ssettm $0x7FFFFFFF  }
tec
execute0_lowered:
.L_overlay_start_1:
0x0: {  	(tag) =	ssettag $0x1  }
0x1: {  	s1 =	rddreg [dreg:$0x0]  }
0x2: {  	s7 =	rddreg [dreg:$0x1]  }
0x3: {  	s2 =	rddreg [dreg:$0x2]  }
0x4: {  	s0 =	rddreg [dreg:$0x3];
	s4 =	simm.s32 $0x0;
	s5 =	srdreg.scid  }
0x5: {  	s3 =	stileid.u32;
	s17 =	simm.s32 $0x50;
	s18 =	simm.s32 $0x8000  }
0x6: {  	s19 =	simm.s32 $0x1;
	s20 =	simm.s32 $0x0;
	[smem:$0x7FF] =	sst s4  }
0x7: {  	s6 =	sand.u32 $0x1, s5;
	s25 =	sshll.u32 s3, $0xC;
	s9 =	smul.u32 $0x13800, s3  }
0x8: {  	s26 =	smul.u32 $0x4E000, s3;
	s13 =	sadd.s32 $0x52800, s7;
	s29 =	sshll.u32 s3, $0x6  }
0x9: {  	s15 =	sadd.s32 $0x138000, s2;
	p0 =	sne.s32 s3, $0xF;
	s8 =	sshll.u32 s6, $0xB  }
0xa: {  	_ =	strace $0x8000004A;
	s11 =	ssub.s32 $0x2, s6;
	s30 =	smul.u32 $0x138800, s6  }
0xb: {  	s6 =	sor.u32 $0x1C02, s29;
	s15 =	sshrl.u32 @!p0 s15, $0x3;
	s5 =	sor.u32 s8, s25  }
0xc: {  	s28 =	sshrl.u32 s9, $0x3;
	s12 =	sshrl.u32 s11, $0x1;
	s8 =	sshrl.u32 s26, $0x2  }
0xd: {  	s10 =	sadd.s32 s5, s7;
	s5 =	sadd.s32 s28, s7;
	s12 =	ssub.s32 s11, s12  }
0xe: {  	s14 =	sadd.s32 s8, s2;
	s7 =	sadd.s32 $0x52600, s7;
	s16 =	sadd.s32 s9, s30  }
0xf: {  	s11 =	sshrl.u32 s30, $0x3;
	s5 =	sadd.s32 $0x2B600, s5;
	s8 =	sadd.s32 $0x1B600, s10  }
0x10: {  	s9 =	sadd.s32 $0xB600, s10;
	s31 =	sshrl.u32 s16, $0x3;
	s11 =	sadd.s32 s13, s11  }
0x11: {  	s12 =	smax.u32 s12, $0x1;
	s16 =	simm.s32 $0x4000;
	s10 =	sadd.s32 s13, s31  }
0x12: {  	s11 =	sadd.s32 $0x27000, s11;
	s13 =	sshrl.u32 s14, $0x3;
	s14 =	simm.s32 $0x2  }
.LBB2_1:
0x13: {  	[spmem:s13], [sflag:s6] =	dma.local [hbm:s5], $0x2700  }
0x14: {  	_ =	swait.ge [sflag:s14], $0x2700  }
0x15: {  	[sflag:s14] =	ssyncset.done $0x0  }
0x16: {  	s21 =	simm.s32 @!p0 $0x2;
	[sflag:s14] =	ssyncadd.s32 $0xFFFFD900  }
0x17: {  	[spmem:s15], [sflag:s6] =	dma.local @!p0 [hbm:s7], $0x100  }
0x18: {  	_ =	swait.ge @!p0 [sflag:s21], $0x100  }
0x19: {  	[sflag:s21] =	ssyncset.done @!p0 $0x0  }
0x1a: {  	[sflag:s21] =	ssyncadd.s32 @!p0 $0xFFFFFF00  }
0x1b: {  	[tilespmem:s4], [sflag:$0x2] =	stream.linear.gather [hbm4b:s8+s4], $0x3E80, $0x38;
	[tilespmem:$0x1E080] =	vst v63  }
0x1c: {  	_ =	swait.ge [sflag:s14], $0x3E80  }
0x1d: {  	[sflag:s14] =	ssyncset.done $0x0  }
0x1e: {  	[sflag:s14] =	ssyncadd.s32 $0xFFFFC180  }
0x1f: {  	[tilespmem:s16], [sflag:$0x2] =	stream.linear.gather [hbm4b:s9+s4], $0x3E80, $0x38;
	[tilespmem:$0x1E080] =	vst v63  }
0x20: {  	_ =	swait.ge [sflag:s14], $0x3E80  }
0x21: {  	[sflag:s14] =	ssyncset.done $0x0  }
0x22: {  	[sflag:s14] =	ssyncadd.s32 $0xFFFFC180  }
0x23: {  	s30 =	simm.s32 $0x0;
	[bflag:$0x0] =	sbarrier.arrive $0xFFFF  }
0x24: {  	[tilespmem:s18], [sflag:$0x1] =	stream.indirect.gather [hbm4b:s1+s17], $0x80, s30, s17, $0xb8;
	[tilespmem:$0x1E080] =	vst v63  }
0x25: {  	_ =	swait.ge [sflag:s19], $0x2800  }
0x26: {  	[sflag:s19] =	ssyncset.done $0x0  }
0x27: {  	s31 =	simm.s32 $0x4000;
	[sflag:s19] =	ssyncadd.s32 $0xFFFFD800  }
0x28: {  	[spmem:s2] =	stream.indirect.scatter.add.f32 [tilespmem:s18], [sflag:$0x2], $0x80, s31, s17, $0xb8;
	[tilespmem:$0x1E080] =	vst v63  }
0x29: {  	_ =	swait.ge [sflag:s14], $0x2800  }
0x2a: {  	s22 =	simm.s32 $0x400;
	s21 =	simm.s32 $0x200;
	[sflag:s14] =	ssyncset.done $0x0  }
.LBB2_2:
0x2b: {  	s23 =	sshra.s32 s21, $0x2  }
0x2c: {  	[sflag:s14] =	ssyncadd.s32 $0xFFFFD800;
	s21 =	smov.u32 s22;
	s24 =	sadd.s32 $0x200, s22  }
0x2d: {  	[tilespmem:s18], [sflag:$0x1] =	stream.indirect.gather [hbm4b:s1+s17], $0x80, s23, s17, $0xb8;
	[tilespmem:$0x1E080] =	vst v63  }
0x2e: {  	p1 =	sne.s32 s22, $0xF800;
	_ =	swait.ge [sflag:s19], $0x2800  }
.Ltmp0:
0x2f: {  	[sflag:s19] =	ssyncset.done $0x0;
	(pc) =	sbr.rel @p1 .LBB2_2-.Ltmp0, $4  }
0x30: {  	s22 =	sadd.s32 $0x4000, s23;
	[sflag:s19] =	ssyncadd.s32 $0xFFFFD800  }
0x31: {  	[spmem:s2] =	stream.indirect.scatter.add.f32 [tilespmem:s18], [sflag:$0x2], $0x80, s22, s17, $0xb8;
	[tilespmem:$0x1E080] =	vst v63  }
0x32: {  	_ =	swait.ge [sflag:s14], $0x2800  }
0x33: {  	s22 =	smov.u32 s24;
	[sflag:s14] =	ssyncset.done $0x0  }
0x34: {  	s21 =	sshra.s32 s21, $0x2;
	[sflag:s14] =	ssyncadd.s32 $0xFFFFD800  }
0x35: {  	[tilespmem:s18], [sflag:$0x1] =	stream.indirect.gather [hbm4b:s1+s17], $0x80, s21, s17, $0xb8;
	[tilespmem:$0x1E080] =	vst v63  }
0x36: {  	_ =	swait.ge [sflag:s19], $0x2800  }
0x37: {  	[sflag:s19] =	ssyncset.done $0x0  }
0x38: {  	s21 =	sadd.s32 $0x4000, s21;
	[sflag:s19] =	ssyncadd.s32 $0xFFFFD800  }
0x39: {  	[spmem:s2] =	stream.indirect.scatter.add.f32 [tilespmem:s18], [sflag:$0x2], $0x80, s21, s17, $0xb8;
	[tilespmem:$0x1E080] =	vst v63  }
0x3a: {  	_ =	swait.ge [sflag:s14], $0x2800  }
0x3b: {  	[sflag:s14] =	ssyncset.done $0x0  }
0x3c: {  	[sflag:s14] =	ssyncadd.s32 $0xFFFFD800  }
0x3d: {  	[bflag:$0x0] =	sbarrier.arrive $0xFFFF  }
0x3e: {  	[hbm:s10], [sflag:s6] =	dma.local [spmem:s13], $0x2700  }
0x3f: {  	s20 =	sadd.s32 $0x1, s20;
	_ =	swait.ge [sflag:s14], $0x2700  }
0x40: {  	p1 =	sne.s32 s20, s12;
	[sflag:s14] =	ssyncset.done $0x0  }
.Ltmp1:
0x41: {  	s21 =	simm.s32 @!p0 $0x2;
	[sflag:s14] =	ssyncadd.s32 $0xFFFFD900;
	(pc) =	sbr.rel @p1 .LBB2_1-.Ltmp1, $4  }
0x42: {  	[hbm:s11], [sflag:s6] =	dma.local @!p0 [spmem:s15], $0x100  }
0x43: {  	_ =	swait.ge @!p0 [sflag:s21], $0x100  }
0x44: {  	[sflag:s21] =	ssyncset.done @!p0 $0x0  }
0x45: {  	[sflag:s21] =	ssyncadd.s32 @!p0 $0xFFFFFF00  }
0x46: {  	_ =	sfence.sel $0x180000  }
0x47: {  	[bflag:$0x0] =	sbarrier.arrive $0xFFFF  }
0x48: {  	p0 =	sne.s32 s3, $0x0;
	_ =	strace $0x9000004A  }
0x49: {  	s0 =	sadd.s32 @!p0 $0x100000, s0;
	[bflag:$0x2] =	sbarrier.arrive $0xFFFF  }
0x4a: {  	[sflag:s0] =	ssyncadd.tile.s32 @!p0 $0x1;
	_ =	shalt  }
.Lfunc_end2:
_tile_overlayer_lowered:
.L_overlay_start_2:
0x4b: {  	(tag) =	ssettag $0x2  }
0x4c: {  	s0 =	rddreg [dreg:$0x0];
	s2 =	stileid.u32  }
0x4d: {  	s1 =	rddreg [dreg:$0x1];
	p0 =	sne.s32 s2, $0x0  }
0x4e: {  	s3 =	rddreg [dreg:$0x2];
	[bflag:$0x3] =	sbarrier.arrive $0xFFFF;
	s2 =	simm.s32 @!p0 $0x1C02  }
0x4f: {  	[timem:s3], [sflag:s2] =	dma.local @!p0 [hbm:s0], s1  }
0x50: {  	s0 =	simm.s32 @!p0 $0x2  }
0x51: {  	_ =	swait.ge @!p0 [sflag:s0], s1  }
0x52: {  	s1 =	ssub.s32 @!p0 $0x0, s1;
	[sflag:s0] =	ssyncset.done @!p0 $0x0  }
0x53: {  	[sflag:s0] =	ssyncadd.s32 @!p0 s1  }
0x54: {  	[bflag:$0x3] =	sbarrier.arrive $0xFFFF  }
0x55: {  	_ =	shalt  }

</sc_bundles>
